<compile_context>
chip_gen: v7x
topology: tpu7x:2x2x1
jax: 0.10.2.dev20260603
libtpu: 0.0.44.dev20260713+nightly
codegen_flags: <defaults>
</compile_context>

<pallas_src>
import jax
import jax.numpy as jnp
from jax import lax
from jax.experimental import pallas as pl
from jax.experimental.pallas import tpu as pltpu
from jax.experimental.pallas import tpu_sc as plsc

_L = 16
_NC = 1
_NS = 16
_NW = _NC * _NS
_N = 1024
_CPW = _N // _NW
_ROWS_X = 2
_COLS_X = 3
_NNZ = 4


def _body(xind_hbm, xval_hbm, y_hbm, out_hbm,
          xind_v, xval_v, y_v, out_v, sem_c, sem_y):
    wid = lax.axis_index("s") * _NC + lax.axis_index("c")
    base = wid * _CPW

    coo_copies = [
        pltpu.async_copy(xind_hbm.at[0], xind_v.at[0, pl.ds(0, _NNZ)], sem_c),
        pltpu.async_copy(xind_hbm.at[1], xind_v.at[1, pl.ds(0, _NNZ)], sem_c),
        pltpu.async_copy(xval_hbm, xval_v.at[pl.ds(0, _NNZ)], sem_c),
    ]
    y_copies = [
        pltpu.async_copy(y_hbm.at[j, pl.ds(base, _CPW)], y_v.at[j], sem_y)
        for j in range(_COLS_X)
    ]
    for c in coo_copies:
        c.wait()

    row = xind_v[0, :]
    col = xind_v[1, :]
    val = xval_v[...]
    coeff = [[jnp.float32(0.0)] * _COLS_X for _ in range(_ROWS_X)]
    for k in range(_NNZ):
        rk = row[k]
        ck = col[k]
        vk = val[k]
        for i in range(_ROWS_X):
            for j in range(_COLS_X):
                hit = (rk == i) & (ck == j)
                coeff[i][j] = coeff[i][j] + jnp.where(hit, vk, 0.0)

    for c in y_copies:
        c.wait()

    outs = []
    for i in range(_ROWS_X):
        for g in range(_CPW // _L):
            sl = pl.ds(g * _L, _L)
            acc = coeff[i][0] * y_v[0, sl]
            for j in range(1, _COLS_X):
                acc = acc + coeff[i][j] * y_v[j, sl]
            out_v[i, sl] = acc
        outs.append(
            pltpu.async_copy(out_v.at[i], out_hbm.at[i, pl.ds(base, _CPW)], sem_c)
        )
    for c in outs:
        c.wait()


@jax.jit
def _spmm(xind, xval, y):
    mesh = plsc.VectorSubcoreMesh(
        core_axis_name="c", subcore_axis_name="s", num_cores=_NC
    )
    return pl.kernel(
        _body,
        mesh=mesh,
        out_type=jax.ShapeDtypeStruct((_ROWS_X, _N), jnp.float32),
        scratch_types=[
            pltpu.VMEM((2, _L), jnp.int32),
            pltpu.VMEM((_L,), jnp.float32),
            pltpu.VMEM((_COLS_X, _CPW), jnp.float32),
            pltpu.VMEM((_ROWS_X, _CPW), jnp.float32),
            pltpu.SemaphoreType.DMA,
            pltpu.SemaphoreType.DMA,
        ],
    )(xind, xval, y)


def kernel(xind, xval, y):
    return _spmm(xind, xval, y)

# --- scband reference (transcript-rebuilt; emitter-appended) ---
"""Pipeline reference for scband-m-11879879543770 (READ-ONLY COPY).

The authoritative reference and input builder live on the scoring server;
editing this copy changes nothing except your own understanding.
"""

import jax, jax.numpy as jnp
import numpy as np

XIND = np.array([[0, 0, 1, 1], [0, 2, 1, 2]], dtype=np.int32)
XVAL = np.array([0.5, -1.25, 2.0, 0.75], dtype=np.float32)


def setup_inputs(seed: int = 0) -> dict:
    key = jax.random.key(seed)
    y = jax.random.normal(key, (3, 1024), dtype=jnp.float32)
    return {
        "xind": jnp.asarray(XIND),
        "xval": jnp.asarray(XVAL),
        "y": y,
    }


def reference(xind, xval, y):
    # torch.sparse_coo_tensor(xind, xval, (2, 3)) densified via scatter-add
    # (COO semantics: duplicate indices are summed), then torch.mm(x, y).
    x = jnp.zeros((2, 3), dtype=xval.dtype).at[xind[0], xind[1]].add(xval)
    return x @ y

if __name__ == "__main__":
    import jax
    _d = setup_inputs()
    print(jax.jit(kernel)(*tuple(_d.values())))

</pallas_src>

<mosaic_0001>
#map = affine_map<(d0, d1) -> (0, 0)>
#map1 = affine_map<(d0, d1) -> (0)>
module attributes {stable_mosaic.version = 14 : i64} {
  func.func @_body(%arg0: i32, %arg1: i32, %arg2: memref<2x4xi32, #tpu.memory_space<hbm>>, %arg3: memref<4xf32, #tpu.memory_space<hbm>>, %arg4: memref<3x1024xf32, #tpu.memory_space<hbm>>, %arg5: memref<2x1024xf32, #tpu.memory_space<hbm>>, %arg6: memref<2x16xi32, #tpu.memory_space<vmem>>, %arg7: memref<16xf32, #tpu.memory_space<vmem>>, %arg8: memref<3x64xf32, #tpu.memory_space<vmem>>, %arg9: memref<2x64xf32, #tpu.memory_space<vmem>>, %arg10: memref<!tpu.dma_semaphore, #tpu.memory_space<semaphore_mem>>, %arg11: memref<!tpu.dma_semaphore, #tpu.memory_space<semaphore_mem>>) attributes {dimension_semantics = [#tpu.dimension_semantics<core_parallel>, #tpu.dimension_semantics<subcore_parallel>], iteration_bounds = array<i64: 1, 16>, scalar_prefetch = 0 : i64, scratch_operands = 6 : i64, tpu.core_type = #tpu.core_type<sc_vector_subcore>, window_params = [{transform_indices = #map}, {transform_indices = #map1}, {transform_indices = #map}, {transform_indices = #map}]} {
    %mul3A = arith.constant 1 : i32
    %mul3A_0 = arith.muli %arg1, %mul3A : i32
    %add3A = arith.addi %mul3A_0, %arg0 : i32
    %mul3A_1 = arith.constant 64 : i32
    %mul3A_2 = arith.muli %add3A, %mul3A_1 : i32
    %dma_start3A = arith.constant 0 : i32
    %dma_start3A_3 = arith.constant 0 : i32
    %dma_start3A_4 = arith.constant 0 : i32
    %dma_start3A_5 = tpu.memref_slice %arg6[%dma_start3A_3, %dma_start3A_4] : memref<2x16xi32, #tpu.memory_space<vmem>> -> memref<1x4xi32, #tpu.memory_space<vmem>>
    %dma_start3A_6 = tpu.memref_squeeze %dma_start3A_5 : memref<1x4xi32, #tpu.memory_space<vmem>> -> memref<4xi32, #tpu.memory_space<vmem>>
    %dma_start3A_7 = arith.constant 0 : i32
    %dma_start3A_8 = tpu.memref_slice %arg2[%dma_start3A, %dma_start3A_7] : memref<2x4xi32, #tpu.memory_space<hbm>> -> memref<1x4xi32, #tpu.memory_space<hbm>>
    %dma_start3A_9 = tpu.memref_squeeze %dma_start3A_8 : memref<1x4xi32, #tpu.memory_space<hbm>> -> memref<4xi32, #tpu.memory_space<hbm>>
    %dma_start3A_10 = arith.constant 0 : i32
    %dma_start3A_11 = tpu.memref_slice %arg6[%dma_start3A_3, %dma_start3A_10] : memref<2x16xi32, #tpu.memory_space<vmem>> -> memref<1x4xi32, #tpu.memory_space<vmem>>
    %dma_start3A_12 = tpu.memref_squeeze %dma_start3A_11 : memref<1x4xi32, #tpu.memory_space<vmem>> -> memref<4xi32, #tpu.memory_space<vmem>>
    %dma_start3A_13 = arith.constant 0 : i32
    %dma_start3A_14 = tpu.memref_slice %arg2[%dma_start3A, %dma_start3A_13] : memref<2x4xi32, #tpu.memory_space<hbm>> -> memref<1x4xi32, #tpu.memory_space<hbm>>
    %dma_start3A_15 = tpu.memref_squeeze %dma_start3A_14 : memref<1x4xi32, #tpu.memory_space<hbm>> -> memref<4xi32, #tpu.memory_space<hbm>>
    tpu.enqueue_dma source(%dma_start3A_15 : memref<4xi32, #tpu.memory_space<hbm>>) target(%dma_start3A_12 : memref<4xi32, #tpu.memory_space<vmem>>) target_semaphore(%arg10 : memref<!tpu.dma_semaphore, #tpu.memory_space<semaphore_mem>>)
    %dma_start3A_16 = arith.constant 1 : i32
    %dma_start3A_17 = arith.constant 1 : i32
    %dma_start3A_18 = arith.constant 0 : i32
    %dma_start3A_19 = tpu.memref_slice %arg6[%dma_start3A_17, %dma_start3A_18] : memref<2x16xi32, #tpu.memory_space<vmem>> -> memref<1x4xi32, #tpu.memory_space<vmem>>
    %dma_start3A_20 = tpu.memref_squeeze %dma_start3A_19 : memref<1x4xi32, #tpu.memory_space<vmem>> -> memref<4xi32, #tpu.memory_space<vmem>>
    %dma_start3A_21 = arith.constant 0 : i32
    %dma_start3A_22 = tpu.memref_slice %arg2[%dma_start3A_16, %dma_start3A_21] : memref<2x4xi32, #tpu.memory_space<hbm>> -> memref<1x4xi32, #tpu.memory_space<hbm>>
    %dma_start3A_23 = tpu.memref_squeeze %dma_start3A_22 : memref<1x4xi32, #tpu.memory_space<hbm>> -> memref<4xi32, #tpu.memory_space<hbm>>
    %dma_start3A_24 = arith.constant 0 : i32
    %dma_start3A_25 = tpu.memref_slice %arg6[%dma_start3A_17, %dma_start3A_24] : memref<2x16xi32, #tpu.memory_space<vmem>> -> memref<1x4xi32, #tpu.memory_space<vmem>>
    %dma_start3A_26 = tpu.memref_squeeze %dma_start3A_25 : memref<1x4xi32, #tpu.memory_space<vmem>> -> memref<4xi32, #tpu.memory_space<vmem>>
    %dma_start3A_27 = arith.constant 0 : i32
    %dma_start3A_28 = tpu.memref_slice %arg2[%dma_start3A_16, %dma_start3A_27] : memref<2x4xi32, #tpu.memory_space<hbm>> -> memref<1x4xi32, #tpu.memory_space<hbm>>
    %dma_start3A_29 = tpu.memref_squeeze %dma_start3A_28 : memref<1x4xi32, #tpu.memory_space<hbm>> -> memref<4xi32, #tpu.memory_space<hbm>>
    tpu.enqueue_dma source(%dma_start3A_29 : memref<4xi32, #tpu.memory_space<hbm>>) target(%dma_start3A_26 : memref<4xi32, #tpu.memory_space<vmem>>) target_semaphore(%arg10 : memref<!tpu.dma_semaphore, #tpu.memory_space<semaphore_mem>>)
    %dma_start3A_30 = arith.constant 0 : i32
    %dma_start3A_31 = tpu.memref_slice %arg7[%dma_start3A_30] : memref<16xf32, #tpu.memory_space<vmem>> -> memref<4xf32, #tpu.memory_space<vmem>>
    %dma_start3A_32 = arith.constant 0 : i32
    %dma_start3A_33 = tpu.memref_slice %arg7[%dma_start3A_32] : memref<16xf32, #tpu.memory_space<vmem>> -> memref<4xf32, #tpu.memory_space<vmem>>
    tpu.enqueue_dma source(%arg3 : memref<4xf32, #tpu.memory_space<hbm>>) target(%dma_start3A_33 : memref<4xf32, #tpu.memory_space<vmem>>) target_semaphore(%arg10 : memref<!tpu.dma_semaphore, #tpu.memory_space<semaphore_mem>>)
    %dma_start3A_34 = arith.constant 0 : i32
    %dma_start3A_35 = arith.constant 0 : i32
    %dma_start3A_36 = arith.constant 0 : i32
    %dma_start3A_37 = tpu.memref_slice %arg8[%dma_start3A_35, %dma_start3A_36] : memref<3x64xf32, #tpu.memory_space<vmem>> -> memref<1x64xf32, #tpu.memory_space<vmem>>
    %dma_start3A_38 = tpu.memref_squeeze %dma_start3A_37 : memref<1x64xf32, #tpu.memory_space<vmem>> -> memref<64xf32, #tpu.memory_space<vmem>>
    %dma_start3A_39 = tpu.memref_slice %arg4[%dma_start3A_34, %mul3A_2] : memref<3x1024xf32, #tpu.memory_space<hbm>> -> memref<1x64xf32, #tpu.memory_space<hbm>>
    %dma_start3A_40 = tpu.memref_squeeze %dma_start3A_39 : memref<1x64xf32, #tpu.memory_space<hbm>> -> memref<64xf32, #tpu.memory_space<hbm>>
    %dma_start3A_41 = arith.constant 0 : i32
    %dma_start3A_42 = tpu.memref_slice %arg8[%dma_start3A_35, %dma_start3A_41] : memref<3x64xf32, #tpu.memory_space<vmem>> -> memref<1x64xf32, #tpu.memory_space<vmem>>
    %dma_start3A_43 = tpu.memref_squeeze %dma_start3A_42 : memref<1x64xf32, #tpu.memory_space<vmem>> -> memref<64xf32, #tpu.memory_space<vmem>>
    %dma_start3A_44 = tpu.memref_slice %arg4[%dma_start3A_34, %mul3A_2] : memref<3x1024xf32, #tpu.memory_space<hbm>> -> memref<1x64xf32, #tpu.memory_space<hbm>>
    %dma_start3A_45 = tpu.memref_squeeze %dma_start3A_44 : memref<1x64xf32, #tpu.memory_space<hbm>> -> memref<64xf32, #tpu.memory_space<hbm>>
    tpu.enqueue_dma source(%dma_start3A_45 : memref<64xf32, #tpu.memory_space<hbm>>) target(%dma_start3A_43 : memref<64xf32, #tpu.memory_space<vmem>>) target_semaphore(%arg11 : memref<!tpu.dma_semaphore, #tpu.memory_space<semaphore_mem>>)
    %dma_start3A_46 = arith.constant 1 : i32
    %dma_start3A_47 = arith.constant 1 : i32
    %dma_start3A_48 = arith.constant 0 : i32
    %dma_start3A_49 = tpu.memref_slice %arg8[%dma_start3A_47, %dma_start3A_48] : memref<3x64xf32, #tpu.memory_space<vmem>> -> memref<1x64xf32, #tpu.memory_space<vmem>>
    %dma_start3A_50 = tpu.memref_squeeze %dma_start3A_49 : memref<1x64xf32, #tpu.memory_space<vmem>> -> memref<64xf32, #tpu.memory_space<vmem>>
    %dma_start3A_51 = tpu.memref_slice %arg4[%dma_start3A_46, %mul3A_2] : memref<3x1024xf32, #tpu.memory_space<hbm>> -> memref<1x64xf32, #tpu.memory_space<hbm>>
    %dma_start3A_52 = tpu.memref_squeeze %dma_start3A_51 : memref<1x64xf32, #tpu.memory_space<hbm>> -> memref<64xf32, #tpu.memory_space<hbm>>
    %dma_start3A_53 = arith.constant 0 : i32
    %dma_start3A_54 = tpu.memref_slice %arg8[%dma_start3A_47, %dma_start3A_53] : memref<3x64xf32, #tpu.memory_space<vmem>> -> memref<1x64xf32, #tpu.memory_space<vmem>>
    %dma_start3A_55 = tpu.memref_squeeze %dma_start3A_54 : memref<1x64xf32, #tpu.memory_space<vmem>> -> memref<64xf32, #tpu.memory_space<vmem>>
    %dma_start3A_56 = tpu.memref_slice %arg4[%dma_start3A_46, %mul3A_2] : memref<3x1024xf32, #tpu.memory_space<hbm>> -> memref<1x64xf32, #tpu.memory_space<hbm>>
    %dma_start3A_57 = tpu.memref_squeeze %dma_start3A_56 : memref<1x64xf32, #tpu.memory_space<hbm>> -> memref<64xf32, #tpu.memory_space<hbm>>
    tpu.enqueue_dma source(%dma_start3A_57 : memref<64xf32, #tpu.memory_space<hbm>>) target(%dma_start3A_55 : memref<64xf32, #tpu.memory_space<vmem>>) target_semaphore(%arg11 : memref<!tpu.dma_semaphore, #tpu.memory_space<semaphore_mem>>)
    %dma_start3A_58 = arith.constant 2 : i32
    %dma_start3A_59 = arith.constant 2 : i32
    %dma_start3A_60 = arith.constant 0 : i32
    %dma_start3A_61 = tpu.memref_slice %arg8[%dma_start3A_59, %dma_start3A_60] : memref<3x64xf32, #tpu.memory_space<vmem>> -> memref<1x64xf32, #tpu.memory_space<vmem>>
    %dma_start3A_62 = tpu.memref_squeeze %dma_start3A_61 : memref<1x64xf32, #tpu.memory_space<vmem>> -> memref<64xf32, #tpu.memory_space<vmem>>
    %dma_start3A_63 = tpu.memref_slice %arg4[%dma_start3A_58, %mul3A_2] : memref<3x1024xf32, #tpu.memory_space<hbm>> -> memref<1x64xf32, #tpu.memory_space<hbm>>
    %dma_start3A_64 = tpu.memref_squeeze %dma_start3A_63 : memref<1x64xf32, #tpu.memory_space<hbm>> -> memref<64xf32, #tpu.memory_space<hbm>>
    %dma_start3A_65 = arith.constant 0 : i32
    %dma_start3A_66 = tpu.memref_slice %arg8[%dma_start3A_59, %dma_start3A_65] : memref<3x64xf32, #tpu.memory_space<vmem>> -> memref<1x64xf32, #tpu.memory_space<vmem>>
    %dma_start3A_67 = tpu.memref_squeeze %dma_start3A_66 : memref<1x64xf32, #tpu.memory_space<vmem>> -> memref<64xf32, #tpu.memory_space<vmem>>
    %dma_start3A_68 = tpu.memref_slice %arg4[%dma_start3A_58, %mul3A_2] : memref<3x1024xf32, #tpu.memory_space<hbm>> -> memref<1x64xf32, #tpu.memory_space<hbm>>
    %dma_start3A_69 = tpu.memref_squeeze %dma_start3A_68 : memref<1x64xf32, #tpu.memory_space<hbm>> -> memref<64xf32, #tpu.memory_space<hbm>>
    tpu.enqueue_dma source(%dma_start3A_69 : memref<64xf32, #tpu.memory_space<hbm>>) target(%dma_start3A_67 : memref<64xf32, #tpu.memory_space<vmem>>) target_semaphore(%arg11 : memref<!tpu.dma_semaphore, #tpu.memory_space<semaphore_mem>>)
    %dma_wait3A = arith.constant 0 : i32
    %dma_wait3A_70 = arith.constant 0 : i32
    %dma_wait3A_71 = arith.constant 0 : i32
    %dma_wait3A_72 = tpu.memref_slice %arg6[%dma_wait3A_70, %dma_wait3A_71] : memref<2x16xi32, #tpu.memory_space<vmem>> -> memref<1x4xi32, #tpu.memory_space<vmem>>
    %dma_wait3A_73 = tpu.memref_squeeze %dma_wait3A_72 : memref<1x4xi32, #tpu.memory_space<vmem>> -> memref<4xi32, #tpu.memory_space<vmem>>
    %dma_wait3A_74 = arith.constant 0 : i32
    %dma_wait3A_75 = tpu.memref_slice %arg2[%dma_wait3A, %dma_wait3A_74] : memref<2x4xi32, #tpu.memory_space<hbm>> -> memref<1x4xi32, #tpu.memory_space<hbm>>
    %dma_wait3A_76 = tpu.memref_squeeze %dma_wait3A_75 : memref<1x4xi32, #tpu.memory_space<hbm>> -> memref<4xi32, #tpu.memory_space<hbm>>
    %dma_wait3A_77 = arith.constant 0 : i32
    %dma_wait3A_78 = tpu.memref_slice %arg6[%dma_wait3A_70, %dma_wait3A_77] : memref<2x16xi32, #tpu.memory_space<vmem>> -> memref<1x4xi32, #tpu.memory_space<vmem>>
    %dma_wait3A_79 = tpu.memref_squeeze %dma_wait3A_78 : memref<1x4xi32, #tpu.memory_space<vmem>> -> memref<4xi32, #tpu.memory_space<vmem>>
    %dma_wait3A_80 = arith.constant 0 : i32
    %dma_wait3A_81 = tpu.memref_slice %arg2[%dma_wait3A, %dma_wait3A_80] : memref<2x4xi32, #tpu.memory_space<hbm>> -> memref<1x4xi32, #tpu.memory_space<hbm>>
    %dma_wait3A_82 = tpu.memref_squeeze %dma_wait3A_81 : memref<1x4xi32, #tpu.memory_space<hbm>> -> memref<4xi32, #tpu.memory_space<hbm>>
    tpu.wait_dma2 semaphore(%arg10 : memref<!tpu.dma_semaphore, #tpu.memory_space<semaphore_mem>>) src(%dma_wait3A_82 : memref<4xi32, #tpu.memory_space<hbm>>) dst(%dma_wait3A_79 : memref<4xi32, #tpu.memory_space<vmem>>)
    %dma_wait3A_83 = arith.constant 1 : i32
    %dma_wait3A_84 = arith.constant 1 : i32
    %dma_wait3A_85 = arith.constant 0 : i32
    %dma_wait3A_86 = tpu.memref_slice %arg6[%dma_wait3A_84, %dma_wait3A_85] : memref<2x16xi32, #tpu.memory_space<vmem>> -> memref<1x4xi32, #tpu.memory_space<vmem>>
    %dma_wait3A_87 = tpu.memref_squeeze %dma_wait3A_86 : memref<1x4xi32, #tpu.memory_space<vmem>> -> memref<4xi32, #tpu.memory_space<vmem>>
    %dma_wait3A_88 = arith.constant 0 : i32
    %dma_wait3A_89 = tpu.memref_slice %arg2[%dma_wait3A_83, %dma_wait3A_88] : memref<2x4xi32, #tpu.memory_space<hbm>> -> memref<1x4xi32, #tpu.memory_space<hbm>>
    %dma_wait3A_90 = tpu.memref_squeeze %dma_wait3A_89 : memref<1x4xi32, #tpu.memory_space<hbm>> -> memref<4xi32, #tpu.memory_space<hbm>>
    %dma_wait3A_91 = arith.constant 0 : i32
    %dma_wait3A_92 = tpu.memref_slice %arg6[%dma_wait3A_84, %dma_wait3A_91] : memref<2x16xi32, #tpu.memory_space<vmem>> -> memref<1x4xi32, #tpu.memory_space<vmem>>
    %dma_wait3A_93 = tpu.memref_squeeze %dma_wait3A_92 : memref<1x4xi32, #tpu.memory_space<vmem>> -> memref<4xi32, #tpu.memory_space<vmem>>
    %dma_wait3A_94 = arith.constant 0 : i32
    %dma_wait3A_95 = tpu.memref_slice %arg2[%dma_wait3A_83, %dma_wait3A_94] : memref<2x4xi32, #tpu.memory_space<hbm>> -> memref<1x4xi32, #tpu.memory_space<hbm>>
    %dma_wait3A_96 = tpu.memref_squeeze %dma_wait3A_95 : memref<1x4xi32, #tpu.memory_space<hbm>> -> memref<4xi32, #tpu.memory_space<hbm>>
    tpu.wait_dma2 semaphore(%arg10 : memref<!tpu.dma_semaphore, #tpu.memory_space<semaphore_mem>>) src(%dma_wait3A_96 : memref<4xi32, #tpu.memory_space<hbm>>) dst(%dma_wait3A_93 : memref<4xi32, #tpu.memory_space<vmem>>)
    %dma_wait3A_97 = arith.constant 0 : i32
    %dma_wait3A_98 = tpu.memref_slice %arg7[%dma_wait3A_97] : memref<16xf32, #tpu.memory_space<vmem>> -> memref<4xf32, #tpu.memory_space<vmem>>
    %dma_wait3A_99 = arith.constant 0 : i32
    %dma_wait3A_100 = tpu.memref_slice %arg7[%dma_wait3A_99] : memref<16xf32, #tpu.memory_space<vmem>> -> memref<4xf32, #tpu.memory_space<vmem>>
    tpu.wait_dma2 semaphore(%arg10 : memref<!tpu.dma_semaphore, #tpu.memory_space<semaphore_mem>>) src(%arg3 : memref<4xf32, #tpu.memory_space<hbm>>) dst(%dma_wait3A_100 : memref<4xf32, #tpu.memory_space<vmem>>)
    %get3A = arith.constant 0 : i32
    %get3A_101 = arith.index_cast %get3A : i32 to index
    %get3A_102 = arith.constant 0 : index
    %get3A_103 = tpu.vector_load %arg6[%get3A_101, %get3A_102] {strides = array<i32>} : memref<2x16xi32, #tpu.memory_space<vmem>>, vector<1x16xi32>,
    %get3A_104 = vector.shape_cast %get3A_103 : vector<1x16xi32> to vector<16xi32>
    %get3A_105 = arith.constant 1 : i32
    %get3A_106 = arith.index_cast %get3A_105 : i32 to index
    %get3A_107 = arith.constant 0 : index
    %get3A_108 = tpu.vector_load %arg6[%get3A_106, %get3A_107] {strides = array<i32>} : memref<2x16xi32, #tpu.memory_space<vmem>>, vector<1x16xi32>,
    %get3A_109 = vector.shape_cast %get3A_108 : vector<1x16xi32> to vector<16xi32>
    %get3A_110 = arith.constant 0 : index
    %get3A_111 = tpu.vector_load %arg7[%get3A_110] {strides = array<i32>} : memref<16xf32, #tpu.memory_space<vmem>>, vector<16xf32>,
    %get3A_112 = vector.shape_cast %get3A_111 : vector<16xf32> to vector<16xf32>
    %slice3A = vector.extract_strided_slice %get3A_104 {offsets = [0], sizes = [1], strides = [1]} : vector<16xi32> to vector<1xi32>
    %squeeze3A = vector.extract %slice3A[0] : i32 from vector<1xi32>
    %slice3A_113 = vector.extract_strided_slice %get3A_109 {offsets = [0], sizes = [1], strides = [1]} : vector<16xi32> to vector<1xi32>
    %squeeze3A_114 = vector.extract %slice3A_113[0] : i32 from vector<1xi32>
    %slice3A_115 = vector.extract_strided_slice %get3A_112 {offsets = [0], sizes = [1], strides = [1]} : vector<16xf32> to vector<1xf32>
    %squeeze3A_116 = vector.extract %slice3A_115[0] : f32 from vector<1xf32>
    %eq3A = arith.constant 0 : i32
    %eq3A_117 = arith.cmpi eq, %squeeze3A, %eq3A : i32
    %eq3A_118 = arith.constant 0 : i32
    %eq3A_119 = arith.cmpi eq, %squeeze3A_114, %eq3A_118 : i32
    %and3A = arith.andi %eq3A_117, %eq3A_119 : i1
    %jit3A = arith.constant 0.000000e+00 : f32
    %select_n3A = arith.select %and3A, %squeeze3A_116, %jit3A : f32
    %add3A_120 = arith.constant 0.000000e+00 : f32
    %add3A_121 = arith.addf %add3A_120, %select_n3A : f32
    %eq3A_122 = arith.constant 0 : i32
    %eq3A_123 = arith.cmpi eq, %squeeze3A, %eq3A_122 : i32
    %eq3A_124 = arith.constant 1 : i32
    %eq3A_125 = arith.cmpi eq, %squeeze3A_114, %eq3A_124 : i32
    %and3A_126 = arith.andi %eq3A_123, %eq3A_125 : i1
    %jit3A_127 = arith.constant 0.000000e+00 : f32
    %select_n3A_128 = arith.select %and3A_126, %squeeze3A_116, %jit3A_127 : f32
    %add3A_129 = arith.constant 0.000000e+00 : f32
    %add3A_130 = arith.addf %add3A_129, %select_n3A_128 : f32
    %eq3A_131 = arith.constant 0 : i32
    %eq3A_132 = arith.cmpi eq, %squeeze3A, %eq3A_131 : i32
    %eq3A_133 = arith.constant 2 : i32
    %eq3A_134 = arith.cmpi eq, %squeeze3A_114, %eq3A_133 : i32
    %and3A_135 = arith.andi %eq3A_132, %eq3A_134 : i1
    %jit3A_136 = arith.constant 0.000000e+00 : f32
    %select_n3A_137 = arith.select %and3A_135, %squeeze3A_116, %jit3A_136 : f32
    %add3A_138 = arith.constant 0.000000e+00 : f32
    %add3A_139 = arith.addf %add3A_138, %select_n3A_137 : f32
    %eq3A_140 = arith.constant 1 : i32
    %eq3A_141 = arith.cmpi eq, %squeeze3A, %eq3A_140 : i32
    %eq3A_142 = arith.constant 0 : i32
    %eq3A_143 = arith.cmpi eq, %squeeze3A_114, %eq3A_142 : i32
    %and3A_144 = arith.andi %eq3A_141, %eq3A_143 : i1
    %jit3A_145 = arith.constant 0.000000e+00 : f32
    %select_n3A_146 = arith.select %and3A_144, %squeeze3A_116, %jit3A_145 : f32
    %add3A_147 = arith.constant 0.000000e+00 : f32
    %add3A_148 = arith.addf %add3A_147, %select_n3A_146 : f32
    %eq3A_149 = arith.constant 1 : i32
    %eq3A_150 = arith.cmpi eq, %squeeze3A, %eq3A_149 : i32
    %eq3A_151 = arith.constant 1 : i32
    %eq3A_152 = arith.cmpi eq, %squeeze3A_114, %eq3A_151 : i32
    %and3A_153 = arith.andi %eq3A_150, %eq3A_152 : i1
    %jit3A_154 = arith.constant 0.000000e+00 : f32
    %select_n3A_155 = arith.select %and3A_153, %squeeze3A_116, %jit3A_154 : f32
    %add3A_156 = arith.constant 0.000000e+00 : f32
    %add3A_157 = arith.addf %add3A_156, %select_n3A_155 : f32
    %eq3A_158 = arith.constant 1 : i32
    %eq3A_159 = arith.cmpi eq, %squeeze3A, %eq3A_158 : i32
    %eq3A_160 = arith.constant 2 : i32
    %eq3A_161 = arith.cmpi eq, %squeeze3A_114, %eq3A_160 : i32
    %and3A_162 = arith.andi %eq3A_159, %eq3A_161 : i1
    %jit3A_163 = arith.constant 0.000000e+00 : f32
    %select_n3A_164 = arith.select %and3A_162, %squeeze3A_116, %jit3A_163 : f32
    %add3A_165 = arith.constant 0.000000e+00 : f32
    %add3A_166 = arith.addf %add3A_165, %select_n3A_164 : f32
    %slice3A_167 = vector.extract_strided_slice %get3A_104 {offsets = [1], sizes = [1], strides = [1]} : vector<16xi32> to vector<1xi32>
    %squeeze3A_168 = vector.extract %slice3A_167[0] : i32 from vector<1xi32>
    %slice3A_169 = vector.extract_strided_slice %get3A_109 {offsets = [1], sizes = [1], strides = [1]} : vector<16xi32> to vector<1xi32>
    %squeeze3A_170 = vector.extract %slice3A_169[0] : i32 from vector<1xi32>
    %slice3A_171 = vector.extract_strided_slice %get3A_112 {offsets = [1], sizes = [1], strides = [1]} : vector<16xf32> to vector<1xf32>
    %squeeze3A_172 = vector.extract %slice3A_171[0] : f32 from vector<1xf32>
    %eq3A_173 = arith.constant 0 : i32
    %eq3A_174 = arith.cmpi eq, %squeeze3A_168, %eq3A_173 : i32
    %eq3A_175 = arith.constant 0 : i32
    %eq3A_176 = arith.cmpi eq, %squeeze3A_170, %eq3A_175 : i32
    %and3A_177 = arith.andi %eq3A_174, %eq3A_176 : i1
    %jit3A_178 = arith.constant 0.000000e+00 : f32
    %select_n3A_179 = arith.select %and3A_177, %squeeze3A_172, %jit3A_178 : f32
    %add3A_180 = arith.addf %add3A_121, %select_n3A_179 : f32
    %eq3A_181 = arith.constant 0 : i32
    %eq3A_182 = arith.cmpi eq, %squeeze3A_168, %eq3A_181 : i32
    %eq3A_183 = arith.constant 1 : i32
    %eq3A_184 = arith.cmpi eq, %squeeze3A_170, %eq3A_183 : i32
    %and3A_185 = arith.andi %eq3A_182, %eq3A_184 : i1
    %jit3A_186 = arith.constant 0.000000e+00 : f32
    %select_n3A_187 = arith.select %and3A_185, %squeeze3A_172, %jit3A_186 : f32
    %add3A_188 = arith.addf %add3A_130, %select_n3A_187 : f32
    %eq3A_189 = arith.constant 0 : i32
    %eq3A_190 = arith.cmpi eq, %squeeze3A_168, %eq3A_189 : i32
    %eq3A_191 = arith.constant 2 : i32
    %eq3A_192 = arith.cmpi eq, %squeeze3A_170, %eq3A_191 : i32
    %and3A_193 = arith.andi %eq3A_190, %eq3A_192 : i1
    %jit3A_194 = arith.constant 0.000000e+00 : f32
    %select_n3A_195 = arith.select %and3A_193, %squeeze3A_172, %jit3A_194 : f32
    %add3A_196 = arith.addf %add3A_139, %select_n3A_195 : f32
    %eq3A_197 = arith.constant 1 : i32
    %eq3A_198 = arith.cmpi eq, %squeeze3A_168, %eq3A_197 : i32
    %eq3A_199 = arith.constant 0 : i32
    %eq3A_200 = arith.cmpi eq, %squeeze3A_170, %eq3A_199 : i32
    %and3A_201 = arith.andi %eq3A_198, %eq3A_200 : i1
    %jit3A_202 = arith.constant 0.000000e+00 : f32
    %select_n3A_203 = arith.select %and3A_201, %squeeze3A_172, %jit3A_202 : f32
    %add3A_204 = arith.addf %add3A_148, %select_n3A_203 : f32
    %eq3A_205 = arith.constant 1 : i32
    %eq3A_206 = arith.cmpi eq, %squeeze3A_168, %eq3A_205 : i32
    %eq3A_207 = arith.constant 1 : i32
    %eq3A_208 = arith.cmpi eq, %squeeze3A_170, %eq3A_207 : i32
    %and3A_209 = arith.andi %eq3A_206, %eq3A_208 : i1
    %jit3A_210 = arith.constant 0.000000e+00 : f32
    %select_n3A_211 = arith.select %and3A_209, %squeeze3A_172, %jit3A_210 : f32
    %add3A_212 = arith.addf %add3A_157, %select_n3A_211 : f32
    %eq3A_213 = arith.constant 1 : i32
    %eq3A_214 = arith.cmpi eq, %squeeze3A_168, %eq3A_213 : i32
    %eq3A_215 = arith.constant 2 : i32
    %eq3A_216 = arith.cmpi eq, %squeeze3A_170, %eq3A_215 : i32
    %and3A_217 = arith.andi %eq3A_214, %eq3A_216 : i1
    %jit3A_218 = arith.constant 0.000000e+00 : f32
    %select_n3A_219 = arith.select %and3A_217, %squeeze3A_172, %jit3A_218 : f32
    %add3A_220 = arith.addf %add3A_166, %select_n3A_219 : f32
    %slice3A_221 = vector.extract_strided_slice %get3A_104 {offsets = [2], sizes = [1], strides = [1]} : vector<16xi32> to vector<1xi32>
    %squeeze3A_222 = vector.extract %slice3A_221[0] : i32 from vector<1xi32>
    %slice3A_223 = vector.extract_strided_slice %get3A_109 {offsets = [2], sizes = [1], strides = [1]} : vector<16xi32> to vector<1xi32>
    %squeeze3A_224 = vector.extract %slice3A_223[0] : i32 from vector<1xi32>
    %slice3A_225 = vector.extract_strided_slice %get3A_112 {offsets = [2], sizes = [1], strides = [1]} : vector<16xf32> to vector<1xf32>
    %squeeze3A_226 = vector.extract %slice3A_225[0] : f32 from vector<1xf32>
    %eq3A_227 = arith.constant 0 : i32
    %eq3A_228 = arith.cmpi eq, %squeeze3A_222, %eq3A_227 : i32
    %eq3A_229 = arith.constant 0 : i32
    %eq3A_230 = arith.cmpi eq, %squeeze3A_224, %eq3A_229 : i32
    %and3A_231 = arith.andi %eq3A_228, %eq3A_230 : i1
    %jit3A_232 = arith.constant 0.000000e+00 : f32
    %select_n3A_233 = arith.select %and3A_231, %squeeze3A_226, %jit3A_232 : f32
    %add3A_234 = arith.addf %add3A_180, %select_n3A_233 : f32
    %eq3A_235 = arith.constant 0 : i32
    %eq3A_236 = arith.cmpi eq, %squeeze3A_222, %eq3A_235 : i32
    %eq3A_237 = arith.constant 1 : i32
    %eq3A_238 = arith.cmpi eq, %squeeze3A_224, %eq3A_237 : i32
    %and3A_239 = arith.andi %eq3A_236, %eq3A_238 : i1
    %jit3A_240 = arith.constant 0.000000e+00 : f32
    %select_n3A_241 = arith.select %and3A_239, %squeeze3A_226, %jit3A_240 : f32
    %add3A_242 = arith.addf %add3A_188, %select_n3A_241 : f32
    %eq3A_243 = arith.constant 0 : i32
    %eq3A_244 = arith.cmpi eq, %squeeze3A_222, %eq3A_243 : i32
    %eq3A_245 = arith.constant 2 : i32
    %eq3A_246 = arith.cmpi eq, %squeeze3A_224, %eq3A_245 : i32
    %and3A_247 = arith.andi %eq3A_244, %eq3A_246 : i1
    %jit3A_248 = arith.constant 0.000000e+00 : f32
    %select_n3A_249 = arith.select %and3A_247, %squeeze3A_226, %jit3A_248 : f32
    %add3A_250 = arith.addf %add3A_196, %select_n3A_249 : f32
    %eq3A_251 = arith.constant 1 : i32
    %eq3A_252 = arith.cmpi eq, %squeeze3A_222, %eq3A_251 : i32
    %eq3A_253 = arith.constant 0 : i32
    %eq3A_254 = arith.cmpi eq, %squeeze3A_224, %eq3A_253 : i32
    %and3A_255 = arith.andi %eq3A_252, %eq3A_254 : i1
    %jit3A_256 = arith.constant 0.000000e+00 : f32
    %select_n3A_257 = arith.select %and3A_255, %squeeze3A_226, %jit3A_256 : f32
    %add3A_258 = arith.addf %add3A_204, %select_n3A_257 : f32
    %eq3A_259 = arith.constant 1 : i32
    %eq3A_260 = arith.cmpi eq, %squeeze3A_222, %eq3A_259 : i32
    %eq3A_261 = arith.constant 1 : i32
    %eq3A_262 = arith.cmpi eq, %squeeze3A_224, %eq3A_261 : i32
    %and3A_263 = arith.andi %eq3A_260, %eq3A_262 : i1
    %jit3A_264 = arith.constant 0.000000e+00 : f32
    %select_n3A_265 = arith.select %and3A_263, %squeeze3A_226, %jit3A_264 : f32
    %add3A_266 = arith.addf %add3A_212, %select_n3A_265 : f32
    %eq3A_267 = arith.constant 1 : i32
    %eq3A_268 = arith.cmpi eq, %squeeze3A_222, %eq3A_267 : i32
    %eq3A_269 = arith.constant 2 : i32
    %eq3A_270 = arith.cmpi eq, %squeeze3A_224, %eq3A_269 : i32
    %and3A_271 = arith.andi %eq3A_268, %eq3A_270 : i1
    %jit3A_272 = arith.constant 0.000000e+00 : f32
    %select_n3A_273 = arith.select %and3A_271, %squeeze3A_226, %jit3A_272 : f32
    %add3A_274 = arith.addf %add3A_220, %select_n3A_273 : f32
    %slice3A_275 = vector.extract_strided_slice %get3A_104 {offsets = [3], sizes = [1], strides = [1]} : vector<16xi32> to vector<1xi32>
    %squeeze3A_276 = vector.extract %slice3A_275[0] : i32 from vector<1xi32>
    %slice3A_277 = vector.extract_strided_slice %get3A_109 {offsets = [3], sizes = [1], strides = [1]} : vector<16xi32> to vector<1xi32>
    %squeeze3A_278 = vector.extract %slice3A_277[0] : i32 from vector<1xi32>
    %slice3A_279 = vector.extract_strided_slice %get3A_112 {offsets = [3], sizes = [1], strides = [1]} : vector<16xf32> to vector<1xf32>
    %squeeze3A_280 = vector.extract %slice3A_279[0] : f32 from vector<1xf32>
    %eq3A_281 = arith.constant 0 : i32
    %eq3A_282 = arith.cmpi eq, %squeeze3A_276, %eq3A_281 : i32
    %eq3A_283 = arith.constant 0 : i32
    %eq3A_284 = arith.cmpi eq, %squeeze3A_278, %eq3A_283 : i32
    %and3A_285 = arith.andi %eq3A_282, %eq3A_284 : i1
    %jit3A_286 = arith.constant 0.000000e+00 : f32
    %select_n3A_287 = arith.select %and3A_285, %squeeze3A_280, %jit3A_286 : f32
    %add3A_288 = arith.addf %add3A_234, %select_n3A_287 : f32
    %eq3A_289 = arith.constant 0 : i32
    %eq3A_290 = arith.cmpi eq, %squeeze3A_276, %eq3A_289 : i32
    %eq3A_291 = arith.constant 1 : i32
    %eq3A_292 = arith.cmpi eq, %squeeze3A_278, %eq3A_291 : i32
    %and3A_293 = arith.andi %eq3A_290, %eq3A_292 : i1
    %jit3A_294 = arith.constant 0.000000e+00 : f32
    %select_n3A_295 = arith.select %and3A_293, %squeeze3A_280, %jit3A_294 : f32
    %add3A_296 = arith.addf %add3A_242, %select_n3A_295 : f32
    %eq3A_297 = arith.constant 0 : i32
    %eq3A_298 = arith.cmpi eq, %squeeze3A_276, %eq3A_297 : i32
    %eq3A_299 = arith.constant 2 : i32
    %eq3A_300 = arith.cmpi eq, %squeeze3A_278, %eq3A_299 : i32
    %and3A_301 = arith.andi %eq3A_298, %eq3A_300 : i1
    %jit3A_302 = arith.constant 0.000000e+00 : f32
    %select_n3A_303 = arith.select %and3A_301, %squeeze3A_280, %jit3A_302 : f32
    %add3A_304 = arith.addf %add3A_250, %select_n3A_303 : f32
    %eq3A_305 = arith.constant 1 : i32
    %eq3A_306 = arith.cmpi eq, %squeeze3A_276, %eq3A_305 : i32
    %eq3A_307 = arith.constant 0 : i32
    %eq3A_308 = arith.cmpi eq, %squeeze3A_278, %eq3A_307 : i32
    %and3A_309 = arith.andi %eq3A_306, %eq3A_308 : i1
    %jit3A_310 = arith.constant 0.000000e+00 : f32
    %select_n3A_311 = arith.select %and3A_309, %squeeze3A_280, %jit3A_310 : f32
    %add3A_312 = arith.addf %add3A_258, %select_n3A_311 : f32
    %eq3A_313 = arith.constant 1 : i32
    %eq3A_314 = arith.cmpi eq, %squeeze3A_276, %eq3A_313 : i32
    %eq3A_315 = arith.constant 1 : i32
    %eq3A_316 = arith.cmpi eq, %squeeze3A_278, %eq3A_315 : i32
    %and3A_317 = arith.andi %eq3A_314, %eq3A_316 : i1
    %jit3A_318 = arith.constant 0.000000e+00 : f32
    %select_n3A_319 = arith.select %and3A_317, %squeeze3A_280, %jit3A_318 : f32
    %add3A_320 = arith.addf %add3A_266, %select_n3A_319 : f32
    %eq3A_321 = arith.constant 1 : i32
    %eq3A_322 = arith.cmpi eq, %squeeze3A_276, %eq3A_321 : i32
    %eq3A_323 = arith.constant 2 : i32
    %eq3A_324 = arith.cmpi eq, %squeeze3A_278, %eq3A_323 : i32
    %and3A_325 = arith.andi %eq3A_322, %eq3A_324 : i1
    %jit3A_326 = arith.constant 0.000000e+00 : f32
    %select_n3A_327 = arith.select %and3A_325, %squeeze3A_280, %jit3A_326 : f32
    %add3A_328 = arith.addf %add3A_274, %select_n3A_327 : f32
    %dma_wait3A_329 = arith.constant 0 : i32
    %dma_wait3A_330 = arith.constant 0 : i32
    %dma_wait3A_331 = arith.constant 0 : i32
    %dma_wait3A_332 = tpu.memref_slice %arg8[%dma_wait3A_330, %dma_wait3A_331] : memref<3x64xf32, #tpu.memory_space<vmem>> -> memref<1x64xf32, #tpu.memory_space<vmem>>
    %dma_wait3A_333 = tpu.memref_squeeze %dma_wait3A_332 : memref<1x64xf32, #tpu.memory_space<vmem>> -> memref<64xf32, #tpu.memory_space<vmem>>
    %dma_wait3A_334 = tpu.memref_slice %arg4[%dma_wait3A_329, %mul3A_2] : memref<3x1024xf32, #tpu.memory_space<hbm>> -> memref<1x64xf32, #tpu.memory_space<hbm>>
    %dma_wait3A_335 = tpu.memref_squeeze %dma_wait3A_334 : memref<1x64xf32, #tpu.memory_space<hbm>> -> memref<64xf32, #tpu.memory_space<hbm>>
    %dma_wait3A_336 = arith.constant 0 : i32
    %dma_wait3A_337 = tpu.memref_slice %arg8[%dma_wait3A_330, %dma_wait3A_336] : memref<3x64xf32, #tpu.memory_space<vmem>> -> memref<1x64xf32, #tpu.memory_space<vmem>>
    %dma_wait3A_338 = tpu.memref_squeeze %dma_wait3A_337 : memref<1x64xf32, #tpu.memory_space<vmem>> -> memref<64xf32, #tpu.memory_space<vmem>>
    %dma_wait3A_339 = tpu.memref_slice %arg4[%dma_wait3A_329, %mul3A_2] : memref<3x1024xf32, #tpu.memory_space<hbm>> -> memref<1x64xf32, #tpu.memory_space<hbm>>
    %dma_wait3A_340 = tpu.memref_squeeze %dma_wait3A_339 : memref<1x64xf32, #tpu.memory_space<hbm>> -> memref<64xf32, #tpu.memory_space<hbm>>
    tpu.wait_dma2 semaphore(%arg11 : memref<!tpu.dma_semaphore, #tpu.memory_space<semaphore_mem>>) src(%dma_wait3A_340 : memref<64xf32, #tpu.memory_space<hbm>>) dst(%dma_wait3A_338 : memref<64xf32, #tpu.memory_space<vmem>>)
    %dma_wait3A_341 = arith.constant 1 : i32
    %dma_wait3A_342 = arith.constant 1 : i32
    %dma_wait3A_343 = arith.constant 0 : i32
    %dma_wait3A_344 = tpu.memref_slice %arg8[%dma_wait3A_342, %dma_wait3A_343] : memref<3x64xf32, #tpu.memory_space<vmem>> -> memref<1x64xf32, #tpu.memory_space<vmem>>
    %dma_wait3A_345 = tpu.memref_squeeze %dma_wait3A_344 : memref<1x64xf32, #tpu.memory_space<vmem>> -> memref<64xf32, #tpu.memory_space<vmem>>
    %dma_wait3A_346 = tpu.memref_slice %arg4[%dma_wait3A_341, %mul3A_2] : memref<3x1024xf32, #tpu.memory_space<hbm>> -> memref<1x64xf32, #tpu.memory_space<hbm>>
    %dma_wait3A_347 = tpu.memref_squeeze %dma_wait3A_346 : memref<1x64xf32, #tpu.memory_space<hbm>> -> memref<64xf32, #tpu.memory_space<hbm>>
    %dma_wait3A_348 = arith.constant 0 : i32
    %dma_wait3A_349 = tpu.memref_slice %arg8[%dma_wait3A_342, %dma_wait3A_348] : memref<3x64xf32, #tpu.memory_space<vmem>> -> memref<1x64xf32, #tpu.memory_space<vmem>>
    %dma_wait3A_350 = tpu.memref_squeeze %dma_wait3A_349 : memref<1x64xf32, #tpu.memory_space<vmem>> -> memref<64xf32, #tpu.memory_space<vmem>>
    %dma_wait3A_351 = tpu.memref_slice %arg4[%dma_wait3A_341, %mul3A_2] : memref<3x1024xf32, #tpu.memory_space<hbm>> -> memref<1x64xf32, #tpu.memory_space<hbm>>
    %dma_wait3A_352 = tpu.memref_squeeze %dma_wait3A_351 : memref<1x64xf32, #tpu.memory_space<hbm>> -> memref<64xf32, #tpu.memory_space<hbm>>
    tpu.wait_dma2 semaphore(%arg11 : memref<!tpu.dma_semaphore, #tpu.memory_space<semaphore_mem>>) src(%dma_wait3A_352 : memref<64xf32, #tpu.memory_space<hbm>>) dst(%dma_wait3A_350 : memref<64xf32, #tpu.memory_space<vmem>>)
    %dma_wait3A_353 = arith.constant 2 : i32
    %dma_wait3A_354 = arith.constant 2 : i32
    %dma_wait3A_355 = arith.constant 0 : i32
    %dma_wait3A_356 = tpu.memref_slice %arg8[%dma_wait3A_354, %dma_wait3A_355] : memref<3x64xf32, #tpu.memory_space<vmem>> -> memref<1x64xf32, #tpu.memory_space<vmem>>
    %dma_wait3A_357 = tpu.memref_squeeze %dma_wait3A_356 : memref<1x64xf32, #tpu.memory_space<vmem>> -> memref<64xf32, #tpu.memory_space<vmem>>
    %dma_wait3A_358 = tpu.memref_slice %arg4[%dma_wait3A_353, %mul3A_2] : memref<3x1024xf32, #tpu.memory_space<hbm>> -> memref<1x64xf32, #tpu.memory_space<hbm>>
    %dma_wait3A_359 = tpu.memref_squeeze %dma_wait3A_358 : memref<1x64xf32, #tpu.memory_space<hbm>> -> memref<64xf32, #tpu.memory_space<hbm>>
    %dma_wait3A_360 = arith.constant 0 : i32
    %dma_wait3A_361 = tpu.memref_slice %arg8[%dma_wait3A_354, %dma_wait3A_360] : memref<3x64xf32, #tpu.memory_space<vmem>> -> memref<1x64xf32, #tpu.memory_space<vmem>>
    %dma_wait3A_362 = tpu.memref_squeeze %dma_wait3A_361 : memref<1x64xf32, #tpu.memory_space<vmem>> -> memref<64xf32, #tpu.memory_space<vmem>>
    %dma_wait3A_363 = tpu.memref_slice %arg4[%dma_wait3A_353, %mul3A_2] : memref<3x1024xf32, #tpu.memory_space<hbm>> -> memref<1x64xf32, #tpu.memory_space<hbm>>
    %dma_wait3A_364 = tpu.memref_squeeze %dma_wait3A_363 : memref<1x64xf32, #tpu.memory_space<hbm>> -> memref<64xf32, #tpu.memory_space<hbm>>
    tpu.wait_dma2 semaphore(%arg11 : memref<!tpu.dma_semaphore, #tpu.memory_space<semaphore_mem>>) src(%dma_wait3A_364 : memref<64xf32, #tpu.memory_space<hbm>>) dst(%dma_wait3A_362 : memref<64xf32, #tpu.memory_space<vmem>>)
    %get3A_365 = arith.constant 0 : i32
    %get3A_366 = arith.index_cast %get3A_365 : i32 to index
    %get3A_367 = arith.constant 0 : index
    %get3A_368 = tpu.vector_load %arg8[%get3A_366, %get3A_367] {strides = array<i32>} : memref<3x64xf32, #tpu.memory_space<vmem>>, vector<1x16xf32>,
    %get3A_369 = vector.shape_cast %get3A_368 : vector<1x16xf32> to vector<16xf32>
    %mul3A_370 = vector.broadcast %add3A_288 : f32 to vector<16xf32>
    %mul3A_371 = arith.mulf %mul3A_370, %get3A_369 : vector<16xf32>
    %get3A_372 = arith.constant 1 : i32
    %get3A_373 = arith.index_cast %get3A_372 : i32 to index
    %get3A_374 = arith.constant 0 : index
    %get3A_375 = tpu.vector_load %arg8[%get3A_373, %get3A_374] {strides = array<i32>} : memref<3x64xf32, #tpu.memory_space<vmem>>, vector<1x16xf32>,
    %get3A_376 = vector.shape_cast %get3A_375 : vector<1x16xf32> to vector<16xf32>
    %mul3A_377 = vector.broadcast %add3A_296 : f32 to vector<16xf32>
    %mul3A_378 = arith.mulf %mul3A_377, %get3A_376 : vector<16xf32>
    %add3A_379 = arith.addf %mul3A_371, %mul3A_378 : vector<16xf32>
    %get3A_380 = arith.constant 2 : i32
    %get3A_381 = arith.index_cast %get3A_380 : i32 to index
    %get3A_382 = arith.constant 0 : index
    %get3A_383 = tpu.vector_load %arg8[%get3A_381, %get3A_382] {strides = array<i32>} : memref<3x64xf32, #tpu.memory_space<vmem>>, vector<1x16xf32>,
    %get3A_384 = vector.shape_cast %get3A_383 : vector<1x16xf32> to vector<16xf32>
    %mul3A_385 = vector.broadcast %add3A_304 : f32 to vector<16xf32>
    %mul3A_386 = arith.mulf %mul3A_385, %get3A_384 : vector<16xf32>
    %add3A_387 = arith.addf %add3A_379, %mul3A_386 : vector<16xf32>
    %swap3A = arith.constant 0 : i32
    %swap3A_388 = arith.index_cast %swap3A : i32 to index
    %swap3A_389 = arith.constant 0 : index
    %swap3A_390 = tpu.vector_load %arg9[%swap3A_388, %swap3A_389] {strides = array<i32>} : memref<2x64xf32, #tpu.memory_space<vmem>>, vector<1x16xf32>,
    %swap3A_391 = vector.shape_cast %swap3A_390 : vector<1x16xf32> to vector<16xf32>
    %swap3A_392 = vector.shape_cast %add3A_387 : vector<16xf32> to vector<1x16xf32>
    tpu.vector_store %arg9[%swap3A_388, %swap3A_389], %swap3A_392 {strides = array<i32>} : memref<2x64xf32, #tpu.memory_space<vmem>>, vector<1x16xf32>,
    %get3A_393 = arith.constant 0 : i32
    %get3A_394 = arith.index_cast %get3A_393 : i32 to index
    %get3A_395 = arith.constant 16 : index
    %get3A_396 = tpu.vector_load %arg8[%get3A_394, %get3A_395] {strides = array<i32>} : memref<3x64xf32, #tpu.memory_space<vmem>>, vector<1x16xf32>,
    %get3A_397 = vector.shape_cast %get3A_396 : vector<1x16xf32> to vector<16xf32>
    %mul3A_398 = vector.broadcast %add3A_288 : f32 to vector<16xf32>
    %mul3A_399 = arith.mulf %mul3A_398, %get3A_397 : vector<16xf32>
    %get3A_400 = arith.constant 1 : i32
    %get3A_401 = arith.index_cast %get3A_400 : i32 to index
    %get3A_402 = arith.constant 16 : index
    %get3A_403 = tpu.vector_load %arg8[%get3A_401, %get3A_402] {strides = array<i32>} : memref<3x64xf32, #tpu.memory_space<vmem>>, vector<1x16xf32>,
    %get3A_404 = vector.shape_cast %get3A_403 : vector<1x16xf32> to vector<16xf32>
    %mul3A_405 = vector.broadcast %add3A_296 : f32 to vector<16xf32>
    %mul3A_406 = arith.mulf %mul3A_405, %get3A_404 : vector<16xf32>
    %add3A_407 = arith.addf %mul3A_399, %mul3A_406 : vector<16xf32>
    %get3A_408 = arith.constant 2 : i32
    %get3A_409 = arith.index_cast %get3A_408 : i32 to index
    %get3A_410 = arith.constant 16 : index
    %get3A_411 = tpu.vector_load %arg8[%get3A_409, %get3A_410] {strides = array<i32>} : memref<3x64xf32, #tpu.memory_space<vmem>>, vector<1x16xf32>,
    %get3A_412 = vector.shape_cast %get3A_411 : vector<1x16xf32> to vector<16xf32>
    %mul3A_413 = vector.broadcast %add3A_304 : f32 to vector<16xf32>
    %mul3A_414 = arith.mulf %mul3A_413, %get3A_412 : vector<16xf32>
    %add3A_415 = arith.addf %add3A_407, %mul3A_414 : vector<16xf32>
    %swap3A_416 = arith.constant 0 : i32
    %swap3A_417 = arith.index_cast %swap3A_416 : i32 to index
    %swap3A_418 = arith.constant 16 : index
    %swap3A_419 = tpu.vector_load %arg9[%swap3A_417, %swap3A_418] {strides = array<i32>} : memref<2x64xf32, #tpu.memory_space<vmem>>, vector<1x16xf32>,
    %swap3A_420 = vector.shape_cast %swap3A_419 : vector<1x16xf32> to vector<16xf32>
    %swap3A_421 = vector.shape_cast %add3A_415 : vector<16xf32> to vector<1x16xf32>
    tpu.vector_store %arg9[%swap3A_417, %swap3A_418], %swap3A_421 {strides = array<i32>} : memref<2x64xf32, #tpu.memory_space<vmem>>, vector<1x16xf32>,
    %get3A_422 = arith.constant 0 : i32
    %get3A_423 = arith.index_cast %get3A_422 : i32 to index
    %get3A_424 = arith.constant 32 : index
    %get3A_425 = tpu.vector_load %arg8[%get3A_423, %get3A_424] {strides = array<i32>} : memref<3x64xf32, #tpu.memory_space<vmem>>, vector<1x16xf32>,
    %get3A_426 = vector.shape_cast %get3A_425 : vector<1x16xf32> to vector<16xf32>
    %mul3A_427 = vector.broadcast %add3A_288 : f32 to vector<16xf32>
    %mul3A_428 = arith.mulf %mul3A_427, %get3A_426 : vector<16xf32>
    %get3A_429 = arith.constant 1 : i32
    %get3A_430 = arith.index_cast %get3A_429 : i32 to index
    %get3A_431 = arith.constant 32 : index
    %get3A_432 = tpu.vector_load %arg8[%get3A_430, %get3A_431] {strides = array<i32>} : memref<3x64xf32, #tpu.memory_space<vmem>>, vector<1x16xf32>,
    %get3A_433 = vector.shape_cast %get3A_432 : vector<1x16xf32> to vector<16xf32>
    %mul3A_434 = vector.broadcast %add3A_296 : f32 to vector<16xf32>
    %mul3A_435 = arith.mulf %mul3A_434, %get3A_433 : vector<16xf32>
    %add3A_436 = arith.addf %mul3A_428, %mul3A_435 : vector<16xf32>
    %get3A_437 = arith.constant 2 : i32
    %get3A_438 = arith.index_cast %get3A_437 : i32 to index
    %get3A_439 = arith.constant 32 : index
    %get3A_440 = tpu.vector_load %arg8[%get3A_438, %get3A_439] {strides = array<i32>} : memref<3x64xf32, #tpu.memory_space<vmem>>, vector<1x16xf32>,
    %get3A_441 = vector.shape_cast %get3A_440 : vector<1x16xf32> to vector<16xf32>
    %mul3A_442 = vector.broadcast %add3A_304 : f32 to vector<16xf32>
    %mul3A_443 = arith.mulf %mul3A_442, %get3A_441 : vector<16xf32>
    %add3A_444 = arith.addf %add3A_436, %mul3A_443 : vector<16xf32>
    %swap3A_445 = arith.constant 0 : i32
    %swap3A_446 = arith.index_cast %swap3A_445 : i32 to index
    %swap3A_447 = arith.constant 32 : index
    %swap3A_448 = tpu.vector_load %arg9[%swap3A_446, %swap3A_447] {strides = array<i32>} : memref<2x64xf32, #tpu.memory_space<vmem>>, vector<1x16xf32>,
    %swap3A_449 = vector.shape_cast %swap3A_448 : vector<1x16xf32> to vector<16xf32>
    %swap3A_450 = vector.shape_cast %add3A_444 : vector<16xf32> to vector<1x16xf32>
    tpu.vector_store %arg9[%swap3A_446, %swap3A_447], %swap3A_450 {strides = array<i32>} : memref<2x64xf32, #tpu.memory_space<vmem>>, vector<1x16xf32>,
    %get3A_451 = arith.constant 0 : i32
    %get3A_452 = arith.index_cast %get3A_451 : i32 to index
    %get3A_453 = arith.constant 48 : index
    %get3A_454 = tpu.vector_load %arg8[%get3A_452, %get3A_453] {strides = array<i32>} : memref<3x64xf32, #tpu.memory_space<vmem>>, vector<1x16xf32>,
    %get3A_455 = vector.shape_cast %get3A_454 : vector<1x16xf32> to vector<16xf32>
    %mul3A_456 = vector.broadcast %add3A_288 : f32 to vector<16xf32>
    %mul3A_457 = arith.mulf %mul3A_456, %get3A_455 : vector<16xf32>
    %get3A_458 = arith.constant 1 : i32
    %get3A_459 = arith.index_cast %get3A_458 : i32 to index
    %get3A_460 = arith.constant 48 : index
    %get3A_461 = tpu.vector_load %arg8[%get3A_459, %get3A_460] {strides = array<i32>} : memref<3x64xf32, #tpu.memory_space<vmem>>, vector<1x16xf32>,
    %get3A_462 = vector.shape_cast %get3A_461 : vector<1x16xf32> to vector<16xf32>
    %mul3A_463 = vector.broadcast %add3A_296 : f32 to vector<16xf32>
    %mul3A_464 = arith.mulf %mul3A_463, %get3A_462 : vector<16xf32>
    %add3A_465 = arith.addf %mul3A_457, %mul3A_464 : vector<16xf32>
    %get3A_466 = arith.constant 2 : i32
    %get3A_467 = arith.index_cast %get3A_466 : i32 to index
    %get3A_468 = arith.constant 48 : index
    %get3A_469 = tpu.vector_load %arg8[%get3A_467, %get3A_468] {strides = array<i32>} : memref<3x64xf32, #tpu.memory_space<vmem>>, vector<1x16xf32>,
    %get3A_470 = vector.shape_cast %get3A_469 : vector<1x16xf32> to vector<16xf32>
    %mul3A_471 = vector.broadcast %add3A_304 : f32 to vector<16xf32>
    %mul3A_472 = arith.mulf %mul3A_471, %get3A_470 : vector<16xf32>
    %add3A_473 = arith.addf %add3A_465, %mul3A_472 : vector<16xf32>
    %swap3A_474 = arith.constant 0 : i32
    %swap3A_475 = arith.index_cast %swap3A_474 : i32 to index
    %swap3A_476 = arith.constant 48 : index
    %swap3A_477 = tpu.vector_load %arg9[%swap3A_475, %swap3A_476] {strides = array<i32>} : memref<2x64xf32, #tpu.memory_space<vmem>>, vector<1x16xf32>,
    %swap3A_478 = vector.shape_cast %swap3A_477 : vector<1x16xf32> to vector<16xf32>
    %swap3A_479 = vector.shape_cast %add3A_473 : vector<16xf32> to vector<1x16xf32>
    tpu.vector_store %arg9[%swap3A_475, %swap3A_476], %swap3A_479 {strides = array<i32>} : memref<2x64xf32, #tpu.memory_space<vmem>>, vector<1x16xf32>,
    %dma_start3A_480 = arith.constant 0 : i32
    %dma_start3A_481 = arith.constant 0 : i32
    %dma_start3A_482 = arith.constant 0 : i32
    %dma_start3A_483 = tpu.memref_slice %arg9[%dma_start3A_480, %dma_start3A_482] : memref<2x64xf32, #tpu.memory_space<vmem>> -> memref<1x64xf32, #tpu.memory_space<vmem>>
    %dma_start3A_484 = tpu.memref_squeeze %dma_start3A_483 : memref<1x64xf32, #tpu.memory_space<vmem>> -> memref<64xf32, #tpu.memory_space<vmem>>
    %dma_start3A_485 = tpu.memref_slice %arg5[%dma_start3A_481, %mul3A_2] : memref<2x1024xf32, #tpu.memory_space<hbm>> -> memref<1x64xf32, #tpu.memory_space<hbm>>
    %dma_start3A_486 = tpu.memref_squeeze %dma_start3A_485 : memref<1x64xf32, #tpu.memory_space<hbm>> -> memref<64xf32, #tpu.memory_space<hbm>>
    %dma_start3A_487 = tpu.memref_slice %arg5[%dma_start3A_481, %mul3A_2] : memref<2x1024xf32, #tpu.memory_space<hbm>> -> memref<1x64xf32, #tpu.memory_space<hbm>>
    %dma_start3A_488 = tpu.memref_squeeze %dma_start3A_487 : memref<1x64xf32, #tpu.memory_space<hbm>> -> memref<64xf32, #tpu.memory_space<hbm>>
    %dma_start3A_489 = arith.constant 0 : i32
    %dma_start3A_490 = tpu.memref_slice %arg9[%dma_start3A_480, %dma_start3A_489] : memref<2x64xf32, #tpu.memory_space<vmem>> -> memref<1x64xf32, #tpu.memory_space<vmem>>
    %dma_start3A_491 = tpu.memref_squeeze %dma_start3A_490 : memref<1x64xf32, #tpu.memory_space<vmem>> -> memref<64xf32, #tpu.memory_space<vmem>>
    tpu.enqueue_dma source(%dma_start3A_491 : memref<64xf32, #tpu.memory_space<vmem>>) target(%dma_start3A_488 : memref<64xf32, #tpu.memory_space<hbm>>) target_semaphore(%arg10 : memref<!tpu.dma_semaphore, #tpu.memory_space<semaphore_mem>>)
    %get3A_492 = arith.constant 0 : i32
    %get3A_493 = arith.index_cast %get3A_492 : i32 to index
    %get3A_494 = arith.constant 0 : index
    %get3A_495 = tpu.vector_load %arg8[%get3A_493, %get3A_494] {strides = array<i32>} : memref<3x64xf32, #tpu.memory_space<vmem>>, vector<1x16xf32>,
    %get3A_496 = vector.shape_cast %get3A_495 : vector<1x16xf32> to vector<16xf32>
    %mul3A_497 = vector.broadcast %add3A_312 : f32 to vector<16xf32>
    %mul3A_498 = arith.mulf %mul3A_497, %get3A_496 : vector<16xf32>
    %get3A_499 = arith.constant 1 : i32
    %get3A_500 = arith.index_cast %get3A_499 : i32 to index
    %get3A_501 = arith.constant 0 : index
    %get3A_502 = tpu.vector_load %arg8[%get3A_500, %get3A_501] {strides = array<i32>} : memref<3x64xf32, #tpu.memory_space<vmem>>, vector<1x16xf32>,
    %get3A_503 = vector.shape_cast %get3A_502 : vector<1x16xf32> to vector<16xf32>
    %mul3A_504 = vector.broadcast %add3A_320 : f32 to vector<16xf32>
    %mul3A_505 = arith.mulf %mul3A_504, %get3A_503 : vector<16xf32>
    %add3A_506 = arith.addf %mul3A_498, %mul3A_505 : vector<16xf32>
    %get3A_507 = arith.constant 2 : i32
    %get3A_508 = arith.index_cast %get3A_507 : i32 to index
    %get3A_509 = arith.constant 0 : index
    %get3A_510 = tpu.vector_load %arg8[%get3A_508, %get3A_509] {strides = array<i32>} : memref<3x64xf32, #tpu.memory_space<vmem>>, vector<1x16xf32>,
    %get3A_511 = vector.shape_cast %get3A_510 : vector<1x16xf32> to vector<16xf32>
    %mul3A_512 = vector.broadcast %add3A_328 : f32 to vector<16xf32>
    %mul3A_513 = arith.mulf %mul3A_512, %get3A_511 : vector<16xf32>
    %add3A_514 = arith.addf %add3A_506, %mul3A_513 : vector<16xf32>
    %swap3A_515 = arith.constant 1 : i32
    %swap3A_516 = arith.index_cast %swap3A_515 : i32 to index
    %swap3A_517 = arith.constant 0 : index
    %swap3A_518 = tpu.vector_load %arg9[%swap3A_516, %swap3A_517] {strides = array<i32>} : memref<2x64xf32, #tpu.memory_space<vmem>>, vector<1x16xf32>,
    %swap3A_519 = vector.shape_cast %swap3A_518 : vector<1x16xf32> to vector<16xf32>
    %swap3A_520 = vector.shape_cast %add3A_514 : vector<16xf32> to vector<1x16xf32>
    tpu.vector_store %arg9[%swap3A_516, %swap3A_517], %swap3A_520 {strides = array<i32>} : memref<2x64xf32, #tpu.memory_space<vmem>>, vector<1x16xf32>,
    %get3A_521 = arith.constant 0 : i32
    %get3A_522 = arith.index_cast %get3A_521 : i32 to index
    %get3A_523 = arith.constant 16 : index
    %get3A_524 = tpu.vector_load %arg8[%get3A_522, %get3A_523] {strides = array<i32>} : memref<3x64xf32, #tpu.memory_space<vmem>>, vector<1x16xf32>,
    %get3A_525 = vector.shape_cast %get3A_524 : vector<1x16xf32> to vector<16xf32>
    %mul3A_526 = vector.broadcast %add3A_312 : f32 to vector<16xf32>
    %mul3A_527 = arith.mulf %mul3A_526, %get3A_525 : vector<16xf32>
    %get3A_528 = arith.constant 1 : i32
    %get3A_529 = arith.index_cast %get3A_528 : i32 to index
    %get3A_530 = arith.constant 16 : index
    %get3A_531 = tpu.vector_load %arg8[%get3A_529, %get3A_530] {strides = array<i32>} : memref<3x64xf32, #tpu.memory_space<vmem>>, vector<1x16xf32>,
    %get3A_532 = vector.shape_cast %get3A_531 : vector<1x16xf32> to vector<16xf32>
    %mul3A_533 = vector.broadcast %add3A_320 : f32 to vector<16xf32>
    %mul3A_534 = arith.mulf %mul3A_533, %get3A_532 : vector<16xf32>
    %add3A_535 = arith.addf %mul3A_527, %mul3A_534 : vector<16xf32>
    %get3A_536 = arith.constant 2 : i32
    %get3A_537 = arith.index_cast %get3A_536 : i32 to index
    %get3A_538 = arith.constant 16 : index
    %get3A_539 = tpu.vector_load %arg8[%get3A_537, %get3A_538] {strides = array<i32>} : memref<3x64xf32, #tpu.memory_space<vmem>>, vector<1x16xf32>,
    %get3A_540 = vector.shape_cast %get3A_539 : vector<1x16xf32> to vector<16xf32>
    %mul3A_541 = vector.broadcast %add3A_328 : f32 to vector<16xf32>
    %mul3A_542 = arith.mulf %mul3A_541, %get3A_540 : vector<16xf32>
    %add3A_543 = arith.addf %add3A_535, %mul3A_542 : vector<16xf32>
    %swap3A_544 = arith.constant 1 : i32
    %swap3A_545 = arith.index_cast %swap3A_544 : i32 to index
    %swap3A_546 = arith.constant 16 : index
    %swap3A_547 = tpu.vector_load %arg9[%swap3A_545, %swap3A_546] {strides = array<i32>} : memref<2x64xf32, #tpu.memory_space<vmem>>, vector<1x16xf32>,
    %swap3A_548 = vector.shape_cast %swap3A_547 : vector<1x16xf32> to vector<16xf32>
    %swap3A_549 = vector.shape_cast %add3A_543 : vector<16xf32> to vector<1x16xf32>
    tpu.vector_store %arg9[%swap3A_545, %swap3A_546], %swap3A_549 {strides = array<i32>} : memref<2x64xf32, #tpu.memory_space<vmem>>, vector<1x16xf32>,
    %get3A_550 = arith.constant 0 : i32
    %get3A_551 = arith.index_cast %get3A_550 : i32 to index
    %get3A_552 = arith.constant 32 : index
    %get3A_553 = tpu.vector_load %arg8[%get3A_551, %get3A_552] {strides = array<i32>} : memref<3x64xf32, #tpu.memory_space<vmem>>, vector<1x16xf32>,
    %get3A_554 = vector.shape_cast %get3A_553 : vector<1x16xf32> to vector<16xf32>
    %mul3A_555 = vector.broadcast %add3A_312 : f32 to vector<16xf32>
    %mul3A_556 = arith.mulf %mul3A_555, %get3A_554 : vector<16xf32>
    %get3A_557 = arith.constant 1 : i32
    %get3A_558 = arith.index_cast %get3A_557 : i32 to index
    %get3A_559 = arith.constant 32 : index
    %get3A_560 = tpu.vector_load %arg8[%get3A_558, %get3A_559] {strides = array<i32>} : memref<3x64xf32, #tpu.memory_space<vmem>>, vector<1x16xf32>,
    %get3A_561 = vector.shape_cast %get3A_560 : vector<1x16xf32> to vector<16xf32>
    %mul3A_562 = vector.broadcast %add3A_320 : f32 to vector<16xf32>
    %mul3A_563 = arith.mulf %mul3A_562, %get3A_561 : vector<16xf32>
    %add3A_564 = arith.addf %mul3A_556, %mul3A_563 : vector<16xf32>
    %get3A_565 = arith.constant 2 : i32
    %get3A_566 = arith.index_cast %get3A_565 : i32 to index
    %get3A_567 = arith.constant 32 : index
    %get3A_568 = tpu.vector_load %arg8[%get3A_566, %get3A_567] {strides = array<i32>} : memref<3x64xf32, #tpu.memory_space<vmem>>, vector<1x16xf32>,
    %get3A_569 = vector.shape_cast %get3A_568 : vector<1x16xf32> to vector<16xf32>
    %mul3A_570 = vector.broadcast %add3A_328 : f32 to vector<16xf32>
    %mul3A_571 = arith.mulf %mul3A_570, %get3A_569 : vector<16xf32>
    %add3A_572 = arith.addf %add3A_564, %mul3A_571 : vector<16xf32>
    %swap3A_573 = arith.constant 1 : i32
    %swap3A_574 = arith.index_cast %swap3A_573 : i32 to index
    %swap3A_575 = arith.constant 32 : index
    %swap3A_576 = tpu.vector_load %arg9[%swap3A_574, %swap3A_575] {strides = array<i32>} : memref<2x64xf32, #tpu.memory_space<vmem>>, vector<1x16xf32>,
    %swap3A_577 = vector.shape_cast %swap3A_576 : vector<1x16xf32> to vector<16xf32>
    %swap3A_578 = vector.shape_cast %add3A_572 : vector<16xf32> to vector<1x16xf32>
    tpu.vector_store %arg9[%swap3A_574, %swap3A_575], %swap3A_578 {strides = array<i32>} : memref<2x64xf32, #tpu.memory_space<vmem>>, vector<1x16xf32>,
    %get3A_579 = arith.constant 0 : i32
    %get3A_580 = arith.index_cast %get3A_579 : i32 to index
    %get3A_581 = arith.constant 48 : index
    %get3A_582 = tpu.vector_load %arg8[%get3A_580, %get3A_581] {strides = array<i32>} : memref<3x64xf32, #tpu.memory_space<vmem>>, vector<1x16xf32>,
    %get3A_583 = vector.shape_cast %get3A_582 : vector<1x16xf32> to vector<16xf32>
    %mul3A_584 = vector.broadcast %add3A_312 : f32 to vector<16xf32>
    %mul3A_585 = arith.mulf %mul3A_584, %get3A_583 : vector<16xf32>
    %get3A_586 = arith.constant 1 : i32
    %get3A_587 = arith.index_cast %get3A_586 : i32 to index
    %get3A_588 = arith.constant 48 : index
    %get3A_589 = tpu.vector_load %arg8[%get3A_587, %get3A_588] {strides = array<i32>} : memref<3x64xf32, #tpu.memory_space<vmem>>, vector<1x16xf32>,
    %get3A_590 = vector.shape_cast %get3A_589 : vector<1x16xf32> to vector<16xf32>
    %mul3A_591 = vector.broadcast %add3A_320 : f32 to vector<16xf32>
    %mul3A_592 = arith.mulf %mul3A_591, %get3A_590 : vector<16xf32>
    %add3A_593 = arith.addf %mul3A_585, %mul3A_592 : vector<16xf32>
    %get3A_594 = arith.constant 2 : i32
    %get3A_595 = arith.index_cast %get3A_594 : i32 to index
    %get3A_596 = arith.constant 48 : index
    %get3A_597 = tpu.vector_load %arg8[%get3A_595, %get3A_596] {strides = array<i32>} : memref<3x64xf32, #tpu.memory_space<vmem>>, vector<1x16xf32>,
    %get3A_598 = vector.shape_cast %get3A_597 : vector<1x16xf32> to vector<16xf32>
    %mul3A_599 = vector.broadcast %add3A_328 : f32 to vector<16xf32>
    %mul3A_600 = arith.mulf %mul3A_599, %get3A_598 : vector<16xf32>
    %add3A_601 = arith.addf %add3A_593, %mul3A_600 : vector<16xf32>
    %swap3A_602 = arith.constant 1 : i32
    %swap3A_603 = arith.index_cast %swap3A_602 : i32 to index
    %swap3A_604 = arith.constant 48 : index
    %swap3A_605 = tpu.vector_load %arg9[%swap3A_603, %swap3A_604] {strides = array<i32>} : memref<2x64xf32, #tpu.memory_space<vmem>>, vector<1x16xf32>,
    %swap3A_606 = vector.shape_cast %swap3A_605 : vector<1x16xf32> to vector<16xf32>
    %swap3A_607 = vector.shape_cast %add3A_601 : vector<16xf32> to vector<1x16xf32>
    tpu.vector_store %arg9[%swap3A_603, %swap3A_604], %swap3A_607 {strides = array<i32>} : memref<2x64xf32, #tpu.memory_space<vmem>>, vector<1x16xf32>,
    %dma_start3A_608 = arith.constant 1 : i32
    %dma_start3A_609 = arith.constant 1 : i32
    %dma_start3A_610 = arith.constant 0 : i32
    %dma_start3A_611 = tpu.memref_slice %arg9[%dma_start3A_608, %dma_start3A_610] : memref<2x64xf32, #tpu.memory_space<vmem>> -> memref<1x64xf32, #tpu.memory_space<vmem>>
    %dma_start3A_612 = tpu.memref_squeeze %dma_start3A_611 : memref<1x64xf32, #tpu.memory_space<vmem>> -> memref<64xf32, #tpu.memory_space<vmem>>
    %dma_start3A_613 = tpu.memref_slice %arg5[%dma_start3A_609, %mul3A_2] : memref<2x1024xf32, #tpu.memory_space<hbm>> -> memref<1x64xf32, #tpu.memory_space<hbm>>
    %dma_start3A_614 = tpu.memref_squeeze %dma_start3A_613 : memref<1x64xf32, #tpu.memory_space<hbm>> -> memref<64xf32, #tpu.memory_space<hbm>>
    %dma_start3A_615 = tpu.memref_slice %arg5[%dma_start3A_609, %mul3A_2] : memref<2x1024xf32, #tpu.memory_space<hbm>> -> memref<1x64xf32, #tpu.memory_space<hbm>>
    %dma_start3A_616 = tpu.memref_squeeze %dma_start3A_615 : memref<1x64xf32, #tpu.memory_space<hbm>> -> memref<64xf32, #tpu.memory_space<hbm>>
    %dma_start3A_617 = arith.constant 0 : i32
    %dma_start3A_618 = tpu.memref_slice %arg9[%dma_start3A_608, %dma_start3A_617] : memref<2x64xf32, #tpu.memory_space<vmem>> -> memref<1x64xf32, #tpu.memory_space<vmem>>
    %dma_start3A_619 = tpu.memref_squeeze %dma_start3A_618 : memref<1x64xf32, #tpu.memory_space<vmem>> -> memref<64xf32, #tpu.memory_space<vmem>>
    tpu.enqueue_dma source(%dma_start3A_619 : memref<64xf32, #tpu.memory_space<vmem>>) target(%dma_start3A_616 : memref<64xf32, #tpu.memory_space<hbm>>) target_semaphore(%arg10 : memref<!tpu.dma_semaphore, #tpu.memory_space<semaphore_mem>>)
    %dma_wait3A_620 = arith.constant 0 : i32
    %dma_wait3A_621 = arith.constant 0 : i32
    %dma_wait3A_622 = arith.constant 0 : i32
    %dma_wait3A_623 = tpu.memref_slice %arg9[%dma_wait3A_620, %dma_wait3A_622] : memref<2x64xf32, #tpu.memory_space<vmem>> -> memref<1x64xf32, #tpu.memory_space<vmem>>
    %dma_wait3A_624 = tpu.memref_squeeze %dma_wait3A_623 : memref<1x64xf32, #tpu.memory_space<vmem>> -> memref<64xf32, #tpu.memory_space<vmem>>
    %dma_wait3A_625 = tpu.memref_slice %arg5[%dma_wait3A_621, %mul3A_2] : memref<2x1024xf32, #tpu.memory_space<hbm>> -> memref<1x64xf32, #tpu.memory_space<hbm>>
    %dma_wait3A_626 = tpu.memref_squeeze %dma_wait3A_625 : memref<1x64xf32, #tpu.memory_space<hbm>> -> memref<64xf32, #tpu.memory_space<hbm>>
    %dma_wait3A_627 = tpu.memref_slice %arg5[%dma_wait3A_621, %mul3A_2] : memref<2x1024xf32, #tpu.memory_space<hbm>> -> memref<1x64xf32, #tpu.memory_space<hbm>>
    %dma_wait3A_628 = tpu.memref_squeeze %dma_wait3A_627 : memref<1x64xf32, #tpu.memory_space<hbm>> -> memref<64xf32, #tpu.memory_space<hbm>>
    %dma_wait3A_629 = arith.constant 0 : i32
    %dma_wait3A_630 = tpu.memref_slice %arg9[%dma_wait3A_620, %dma_wait3A_629] : memref<2x64xf32, #tpu.memory_space<vmem>> -> memref<1x64xf32, #tpu.memory_space<vmem>>
    %dma_wait3A_631 = tpu.memref_squeeze %dma_wait3A_630 : memref<1x64xf32, #tpu.memory_space<vmem>> -> memref<64xf32, #tpu.memory_space<vmem>>
    tpu.wait_dma2 semaphore(%arg10 : memref<!tpu.dma_semaphore, #tpu.memory_space<semaphore_mem>>) src(%dma_wait3A_631 : memref<64xf32, #tpu.memory_space<vmem>>) dst(%dma_wait3A_628 : memref<64xf32, #tpu.memory_space<hbm>>)
    %dma_wait3A_632 = arith.constant 1 : i32
    %dma_wait3A_633 = arith.constant 1 : i32
    %dma_wait3A_634 = arith.constant 0 : i32
    %dma_wait3A_635 = tpu.memref_slice %arg9[%dma_wait3A_632, %dma_wait3A_634] : memref<2x64xf32, #tpu.memory_space<vmem>> -> memref<1x64xf32, #tpu.memory_space<vmem>>
    %dma_wait3A_636 = tpu.memref_squeeze %dma_wait3A_635 : memref<1x64xf32, #tpu.memory_space<vmem>> -> memref<64xf32, #tpu.memory_space<vmem>>
    %dma_wait3A_637 = tpu.memref_slice %arg5[%dma_wait3A_633, %mul3A_2] : memref<2x1024xf32, #tpu.memory_space<hbm>> -> memref<1x64xf32, #tpu.memory_space<hbm>>
    %dma_wait3A_638 = tpu.memref_squeeze %dma_wait3A_637 : memref<1x64xf32, #tpu.memory_space<hbm>> -> memref<64xf32, #tpu.memory_space<hbm>>
    %dma_wait3A_639 = tpu.memref_slice %arg5[%dma_wait3A_633, %mul3A_2] : memref<2x1024xf32, #tpu.memory_space<hbm>> -> memref<1x64xf32, #tpu.memory_space<hbm>>
    %dma_wait3A_640 = tpu.memref_squeeze %dma_wait3A_639 : memref<1x64xf32, #tpu.memory_space<hbm>> -> memref<64xf32, #tpu.memory_space<hbm>>
    %dma_wait3A_641 = arith.constant 0 : i32
    %dma_wait3A_642 = tpu.memref_slice %arg9[%dma_wait3A_632, %dma_wait3A_641] : memref<2x64xf32, #tpu.memory_space<vmem>> -> memref<1x64xf32, #tpu.memory_space<vmem>>
    %dma_wait3A_643 = tpu.memref_squeeze %dma_wait3A_642 : memref<1x64xf32, #tpu.memory_space<vmem>> -> memref<64xf32, #tpu.memory_space<vmem>>
    tpu.wait_dma2 semaphore(%arg10 : memref<!tpu.dma_semaphore, #tpu.memory_space<semaphore_mem>>) src(%dma_wait3A_643 : memref<64xf32, #tpu.memory_space<vmem>>) dst(%dma_wait3A_640 : memref<64xf32, #tpu.memory_space<hbm>>)
    return
  }
}

</mosaic_0001>

<sc_bundles>
// kernel: _spmm.3.cloned.1.call-start
scs
__scs_entry_jumppad:
0x0: {  	(pc) =	sbr.rel $0x88, $3  }
0x1: {  	(tag) =	ssettag $0x0;
	lr =	simm.s32 $0x1  }
0x2: {  	[smem:$0x3F9E] =	sst lr;
	_ =	strace $0xD0000000  }
0x3: {  	_ = 	snop  }
0x4: {  	_ = 	snop  }
0x5: {  	_ = 	snop  }
0x6: {  	_ = 	snop  }
0x7: {  	_ = 	snop  }
__scs_overlays_trampoline_lowered:
0x8: {  	[smem:$0x3FAD] =	sst s0  }
0x9: {  	[smem:$0x3FAE] =	sst s1  }
0xa: {  	[smem:$0x3FAF] =	sst s2  }
0xb: {  	[smem:$0x3FB0] =	sst s3  }
0xc: {  	[smem:$0x3FB1] =	sst s4  }
0xd: {  	[smem:$0x3FB2] =	sst s5  }
0xe: {  	[smem:$0x3FB3] =	sst s6  }
0xf: {  	[smem:$0x3FB4] =	sst s7  }
0x10: {  	[smem:$0x3FB5] =	sst s8  }
0x11: {  	[smem:$0x3FB6] =	sst s9;
	s0 =	simm.s32 @!p0 $0x0  }
0x12: {  	s1 =	sld [smem:$0x3F9C];
	s0 =	simm.s32 @p0 $0x1  }
0x13: {  	[smem:$0x3FB7] =	sst s0;
	s0 =	simm.s32 @!p1 $0x0  }
0x14: {  	s2 =	sld [smem:$0x3F9B];
	s0 =	simm.s32 @p1 $0x1  }
0x15: {  	[smem:$0x3FB8] =	sst s0;
	s0 =	simm.s32 @!p2 $0x0  }
0x16: {  	s3 =	sld [smem:$0x3FDB];
	s0 =	simm.s32 @p2 $0x1  }
0x17: {  	s4 =	simm.s32 $0x1BF5;
	[smem:$0x3FBA] =	sst s0  }
0x18: {  	s0 =	sld [smem:$0x3F9D];
	_ =	swait.ge [sflag:s4], $0x0  }
0x19: {  	s7 =	sld [smem:$0x3F9E]  }
0x1a: {  	s8 =	sadd.s32 $0xFFFFE003, lr  }
0x1b: {  	s9 =	sadd.s32 $0xFFFFFEF7, lr;
	s5 =	simm.s32 $0xFFFFFFFF;
	p2 =	slt.u32 s8, $0xFFFFF086  }
0x1c: {  	p1 =	slt.u32 s9, $0xF7A;
	s5 =	simm.s32 @!p2 $0x0  }
0x1d: {  	s5 =	simm.s32 @p1 $0x1;
	p0 =	seq.s32 s7, s2  }
0x1e: {  	s7 =	smul.u32 @!p0 $0xF7A, s2;
	p2 =	seq.s32 @!p0 s5, $0x0  }
0x1f: {  	s9 =	smul.u32 $0xF7A, s1;
	s8 =	simm.s32 @!p0 $0x1BF5;
	p2 =	por !p2, p0  }
0x20: {  	[sflag:s8] =	ssyncset.s32 @!p0 $0xFFFFF086;
	s6 =	sadd.s32 @!p0 s3, s7;
	s7 =	simm.s32 @!p0 $0x108  }
0x21: {  	s3 =	sadd.s32 s3, s9;
	s6 =	sadd.s32 @!p0 $0x88, s6;
	s7 =	simm.s32 @p2 $0x1082  }
0x22: {  	[simem:s7], [sflag:s8] =	dma.local @!p0 [hbm:s6], $0xF7A  }
0x23: {  	s9 =	sor.u32 $0xD0000000, s2;
	s6 =	simm.s32 $0x108;
	_ =	swait.ge @!p0 [sflag:s8], $0x0  }
0x24: {  	s3 =	sadd.s32 $0x88, s3;
	s6 =	simm.s32 @!p1 $0x1082;
	[sflag:s4] =	ssyncset.s32 $0xFFFFF086  }
0x25: {  	[simem:s6], [sflag:s4] =	dma.local [hbm:s3], $0xF7A  }
0x26: {  	[smem:$0x3F9E] =	sst s1;
	(tag) =	ssettag s2;
	_ =	strace s9  }
0x27: {  	s1 =	sld [smem:$0x3FAE]  }
0x28: {  	s2 =	sld [smem:$0x3FAF]  }
0x29: {  	s4 =	sld [smem:$0x3FB1]  }
0x2a: {  	p0 =	seq.s32 s5, $0x0;
	s5 =	sld [smem:$0x3FB2]  }
0x2b: {  	s6 =	sld [smem:$0x3FB3]  }
0x2c: {  	s7 =	sld [smem:$0x3FB4]  }
0x2d: {  	s3 =	simm.s32 $0x108;
	s8 =	sld [smem:$0x3FB5]  }
0x2e: {  	s3 =	simm.s32 @!p0 $0x1082;
	s9 =	sld [smem:$0x3FB6]  }
0x2f: {  	lr =	sadd.s32 s0, s3;
	s0 =	sld [smem:$0x3FAD]  }
0x30: {  	s3 =	sld [smem:$0x3FB0]  }
0x31: {  	[smem:$0x3FB9] =	sst s10  }
0x32: {  	s10 =	sld [smem:$0x3FB7];
	_ =	sdelay $0x3  }
0x33: {  	p0 =	seq.s32 s10, $0x1;
	s10 =	sld [smem:$0x3FB9];
	_ =	sdelay $0x3  }
0x34: {  	[smem:$0x3FB9] =	sst s10  }
0x35: {  	s10 =	sld [smem:$0x3FB8];
	_ =	sdelay $0x3  }
0x36: {  	p1 =	seq.s32 s10, $0x1;
	s10 =	sld [smem:$0x3FB9];
	_ =	sdelay $0x3  }
0x37: {  	[smem:$0x3FB9] =	sst s10  }
0x38: {  	s10 =	sld [smem:$0x3FBA]  }
0x39: {  	_ = 	snop;
	(pc) =	sbr.ind lr, $3  }
0x3a: {  	_ = 	snop  }
0x3b: {  	_ = 	snop  }
0x3c: {  	p2 =	seq.s32 s10, $0x1;
	s10 =	sld [smem:$0x3FB9]  }
0x3d: {  	_ =	shalt  }
0x3e: {  	_ =	shalt  }
0x3f: {  	_ =	shalt  }
0x40: {  	_ =	shalt  }
0x41: {  	_ =	shalt  }
0x42: {  	_ =	shalt  }
0x43: {  	_ =	shalt  }
0x44: {  	_ =	shalt  }
0x45: {  	_ =	shalt  }
0x46: {  	_ =	shalt  }
0x47: {  	_ =	shalt  }
0x48: {  	_ =	shalt  }
0x49: {  	_ =	shalt  }
0x4a: {  	_ =	shalt  }
0x4b: {  	_ =	shalt  }
0x4c: {  	_ =	shalt  }
0x4d: {  	_ =	shalt  }
0x4e: {  	_ =	shalt  }
0x4f: {  	_ =	shalt  }
0x50: {  	_ =	shalt  }
0x51: {  	_ =	shalt  }
0x52: {  	_ =	shalt  }
0x53: {  	_ =	shalt  }
0x54: {  	_ =	shalt  }
0x55: {  	_ =	shalt  }
0x56: {  	_ =	shalt  }
0x57: {  	_ =	shalt  }
0x58: {  	_ =	shalt  }
0x59: {  	_ =	shalt  }
0x5a: {  	_ =	shalt  }
0x5b: {  	_ =	shalt  }
0x5c: {  	_ =	shalt  }
0x5d: {  	_ =	shalt  }
0x5e: {  	_ =	shalt  }
0x5f: {  	_ =	shalt  }
0x60: {  	_ =	shalt  }
0x61: {  	_ =	shalt  }
0x62: {  	_ =	shalt  }
0x63: {  	_ =	shalt  }
0x64: {  	_ =	shalt  }
0x65: {  	_ =	shalt  }
0x66: {  	_ =	shalt  }
0x67: {  	_ =	shalt  }
0x68: {  	_ =	shalt  }
0x69: {  	_ =	shalt  }
0x6a: {  	_ =	shalt  }
0x6b: {  	_ =	shalt  }
0x6c: {  	_ =	shalt  }
0x6d: {  	_ =	shalt  }
0x6e: {  	_ =	shalt  }
0x6f: {  	_ =	shalt  }
0x70: {  	_ =	shalt  }
0x71: {  	_ =	shalt  }
0x72: {  	_ =	shalt  }
0x73: {  	_ =	shalt  }
0x74: {  	_ =	shalt  }
0x75: {  	_ =	shalt  }
0x76: {  	_ =	shalt  }
0x77: {  	_ =	shalt  }
0x78: {  	_ =	shalt  }
0x79: {  	_ =	shalt  }
0x7a: {  	_ =	shalt  }
0x7b: {  	_ =	shalt  }
0x7c: {  	_ =	shalt  }
0x7d: {  	_ =	shalt  }
0x7e: {  	_ =	shalt  }
0x7f: {  	_ =	shalt  }
0x80: {  	_ =	shalt  }
0x81: {  	_ =	shalt  }
0x82: {  	_ =	shalt  }
0x83: {  	_ =	shalt  }
0x84: {  	_ =	shalt  }
0x85: {  	_ =	shalt  }
0x86: {  	_ =	shalt  }
0x87: {  	_ =	shalt  }
.Lfunc_end0:
.L_simem_size_0:
called_computation_lowered:
.L_overlay_start_0:
0x88: {  	s0 =	sld [smem:$0x3FD9]  }
0x89: {  	s1 =	sld [smem:$0x3FFE];
	_ =	sdelay $0x3  }
0x8a: {  	s0 =	sadd.s32 s1, s0  }
0x8b: {  	[smem:$0x3FC5] =	sst s0  }
0x8c: {  	_ = 	snop  }
0x8d: {  	s0 =	sld [smem:$0x3FC9]  }
0x8e: {  	s17 =	sld [smem:$0x3FC8]  }
0x8f: {  	s2 =	sld [smem:$0x3FC7]  }
0x90: {  	s3 =	sld [smem:$0x3FD0];
	(tm) =	ssettm $0x1  }
0x91: {  	s4 =	sld [smem:$0x3FFB];
	_ =	sdelay $0x3  }
0x92: {  	_ =	strace s4  }
0x93: {  	s4 =	sld [smem:$0x3FFC];
	_ =	sdelay $0x3  }
0x94: {  	_ =	strace s4  }
0x95: {  	s4 =	sld [smem:$0x3FFD];
	_ =	sdelay $0x3  }
0x96: {  	_ =	strace s4  }
0x97: {  	_ =	strace $0x8FFFFFFF  }
0x98: {  	s18 =	sld [smem:$0x3FDB];
	_ =	sdelay $0x1  }
0x99: {  	s5 =	simm.s32 $_scs_section_size  }
0x9a: {  	s6 =	simm.s32 $_size__tile_overlayer_lowered;
	s7 =	simm.s32 $_tile_overlayer_lowered  }
0x9b: {  	s21 =	simm.s32 $0x1BFF;
	s20 =	sshll.u32 s7, $0x1;
	s4 =	sadd.s32 s5, s18  }
0x9c: {  	s8 =	simm.s32 $0x0;
	s19 =	sshll.u32 s6, $0x1;
	s6 =	sadd.s32 s20, s4  }
0x9d: {  	[timem:s8], [sflag:s21] =	dma.local [hbm:s6], s19  }
0x9e: {  	_ =	swait.ge [sflag:s21], s19  }
0x9f: {  	s5 =	ssub.s32 $0x0, s19;
	[sflag:s21] =	ssyncset.done $0x0  }
0xa0: {  	[sflag:s21] =	ssyncadd.s32 s5;
	_ =	sdelay $0x1  }
0xa1: {  	s22 =	simm.s32 $0x1B8B  }
0xa2: {  	_ =	swait.ge [sflag:s22], $0x1  }
0xa3: {  	[sflag:s22] =	ssyncset.done $0x0  }
0xa4: {  	s23 =	simm.s32 $0x1B8E;
	[sflag:s22] =	ssyncadd.s32 $0xFFFFFFFF  }
0xa5: {  	s24 =	simm.s32 $execute0_lowered;
	[smem:$0x3FD2] =	sst s23  }
0xa6: {  	s5 =	sshll.u32 s24, $0x1;
	_ =	strace $0x80000046;
	[dreg:$0x1] =	wrdreg $0xFFFFFFFF  }
0xa7: {  	s25 =	simm.s32 $_size_execute0_lowered;
	s4 =	sadd.s32 s4, s5;
	[dreg:$0x0] =	wrdreg $0x0  }
0xa8: {  	s5 =	sshll.u32 s25, $0x1;
	[dreg:$0x2] =	wrdreg s4  }
0xa9: {  	[dreg:$0x3] =	wrdreg s5  }
0xaa: {  	[dreg:$0x4] =	wrdreg $0xC0  }
0xab: {  	_ =	task [dreg:s8], $0x5FFFF  }
0xac: {  	[dreg:$0x1] =	wrdreg $0xFFFFFFFF  }
0xad: {  	[dreg:$0x0] =	wrdreg $0x60  }
0xae: {  	[dreg:$0x2] =	wrdreg s0  }
0xaf: {  	[dreg:$0x3] =	wrdreg s17  }
0xb0: {  	[dreg:$0x4] =	wrdreg s2  }
0xb1: {  	[dreg:$0x5] =	wrdreg s3  }
0xb2: {  	[dreg:$0x6] =	wrdreg $0x9  }
0xb3: {  	_ =	task.clear_ibuf [dreg:s8], $0x7FFFF;
	_ =	strace $0x90000046  }
0xb4: {  	s26 =	simm.s32 $0x9;
	_ =	strace $0x80000048  }
0xb5: {  	_ =	swait.ge [sflag:s26], $0x1  }
0xb6: {  	[sflag:s26] =	ssyncadd.s32 $0xFFFFFFFF  }
0xb7: {  	_ =	strace $0x90000048  }
0xb8: {  	_ =	sfence  }
0xb9: {  	s28 =	sld [smem:$0x0];
	_ =	sdelay $0x1  }
0xba: {  	s29 =	srdreg.scid  }
0xbb: {  	s30 =	sshll.u32 s29, $0xD;
	s31 =	sshrl.u32 s29, $0x2  }
0xbc: {  	s1 =	sand.u32 $0x1, s29;
	s2 =	sand.u32 $0x4000, s30;
	s0 =	sadd.s32 s31, s28  }
0xbd: {  	s1 =	sor.u32 s2, s1;
	s0 =	sshll.u32 s0, $0x11  }
0xbe: {  	s0 =	sor.u32 s0, s1  }
0xbf: {  	s0 =	sadd.s32 $0x8F2B, s0  }
0xc0: {  	[sflag:s0] =	ssyncadd.remote.s32 $0x1  }
0xc1: {  	_ =	sfence.sel $0xFFFF  }
0xc2: {  	[dreg:$0x0] =	wrdreg $0xFFFFFFFF;
	(pc) =	sbr.abs _section_cstart, $3  }
0xc3: {  	[dreg:$0x1] =	wrdreg $0xFFFFFFFF  }
0xc4: {  	_ =	task.clear_ibuf [dreg:s8], $0x2FFFF;
	_ =	strace $0x9FFFFFFF  }
0xc5: {  	(tm) =	ssettm $0x7FFFFFFF  }
tec
execute0_lowered:
.L_overlay_start_1:
0x0: {  	(tag) =	ssettag $0x1  }
0x1: {  	s3 =	rddreg [dreg:$0x0]  }
0x2: {  	s7 =	rddreg [dreg:$0x1]  }
0x3: {  	s8 =	rddreg [dreg:$0x2]  }
0x4: {  	s4 =	rddreg [dreg:$0x3]  }
0x5: {  	s0 =	rddreg [dreg:$0x4];
	s2 =	simm.s32 $0x0  }
0x6: {  	s1 =	stileid.u32;
	[smem:$0x7FF] =	sst s2  }
0x7: {  	s9 =	simm.s32 $0x80;
	s10 =	simm.s32 $0x100;
	_ =	strace $0x80000047  }
0x8: {  	[tilespmem:s2], [sflag:$0x1] =	stream.strided.gather [hbm4b:s3+s9], $0x0, s10, s9, $0x38;
	[tilespmem:$0x480] =	vst v63  }
0x9: {  	s5 =	sshll.u32 s1, $0x6;
	s6 =	sshrl.u32 s1, $0x1  }
0xa: {  	[tilespmem:s2], [sflag:$0x1] =	stream.linear.gather [hbm4b:s3+s2], $0x4, $0x38;
	[tilespmem:$0x480] =	vst v63  }
0xb: {  	s5 =	sand.u32 $0x40, s5;
	s11 =	sshll.u32 s6, $0x9;
	s3 =	sadd.s32 $0x10, s3  }
0xc: {  	[tilespmem:s9], [sflag:$0x1] =	stream.strided.gather [hbm4b:s3+s9], $0x0, s10, s9, $0x38;
	[tilespmem:$0x480] =	vst v63  }
0xd: {  	s11 =	sor.u32 s5, s11  }
0xe: {  	[tilespmem:s9], [sflag:$0x1] =	stream.linear.gather [hbm4b:s3+s2], $0x4, $0x38;
	[tilespmem:$0x480] =	vst v63  }
0xf: {  	s23 =	sshrl.u32 s11, $0x3  }
0x10: {  	[tilespmem:s10], [sflag:$0x1] =	stream.linear.gather [hbm4b:s7+s2], $0x4, $0x38;
	[tilespmem:$0x480] =	vst v63  }
0x11: {  	s24 =	simm.s32 $0x180;
	s3 =	sadd.s32 s8, s23  }
0x12: {  	[tilespmem:s24], [sflag:$0x2] =	stream.linear.gather [hbm4b:s3+s2], $0x40, $0x38;
	[tilespmem:$0x480] =	vst v63  }
0x13: {  	s26 =	simm.s32 $0x200;
	s25 =	sadd.s32 $0x10, s3  }
0x14: {  	[tilespmem:s26], [sflag:$0x2] =	stream.linear.gather [hbm4b:s25+s2], $0x40, $0x38;
	[tilespmem:$0x480] =	vst v63  }
0x15: {  	s28 =	simm.s32 $0x280;
	s3 =	sadd.s32 $0x20, s3  }
0x16: {  	[tilespmem:s28], [sflag:$0x2] =	stream.linear.gather [hbm4b:s3+s2], $0x40, $0x38;
	[tilespmem:$0x480] =	vst v63  }
0x17: {  	s3 =	simm.s32 $0x1  }
0x18: {  	_ =	swait.ge [sflag:s3], $0x4  }
0x19: {  	[sflag:s3] =	ssyncset.done $0x0  }
0x1a: {  	[sflag:s3] =	ssyncadd.s32 $0xFFFFFFFC  }
0x1b: {  	_ =	swait.ge [sflag:s3], $0x4  }
0x1c: {  	[sflag:s3] =	ssyncset.done $0x0  }
0x1d: {  	[sflag:s3] =	ssyncadd.s32 $0xFFFFFFFC  }
0x1e: {  	_ =	swait.ge [sflag:s3], $0x4  }
0x1f: {  	[sflag:s3] =	ssyncset.done $0x0  }
0x20: {  	[sflag:s3] =	ssyncadd.s32 $0xFFFFFFFC  }
0x21: {  	v0 =	vld [tilespmem:$0x0]  }
0x22: {  	v1 =	vld [tilespmem:$0x80]  }
0x23: {  	v2 =	vld [tilespmem:$0x100];
	_ =	sdelay $0x2  }
0x24: {  	(v2sf) =	vpush v0, $0x0  }
0x25: {  	(v2sf) =	vpush v1, $0x0  }
0x26: {  	(v2sf) =	vpush v2, $0x0  }
0x27: {  	(v2sf) =	vpush v0, $0x1  }
0x28: {  	(v2sf) =	vpush v1, $0x1  }
0x29: {  	(v2sf) =	vpush v2, $0x1;
	_ =	sdelay $0x1  }
0x2a: {  	(v2sf) =	vpush v0, $0x2;
	_ =	sdelay $0x1  }
0x2b: {  	(v2sf) =	vpush v1, $0x2  }
0x2c: {  	(v2sf) =	vpush v2, $0x2  }
0x2d: {  	(v2sf) =	vpush v0, $0x3  }
0x2e: {  	(v2sf) =	vpush v1, $0x3  }
0x2f: {  	(v2sf) =	vpush v2, $0x3;
	_ =	sdelay $0x1  }
0x30: {  	s18 =	spop (v2sf)  }
0x31: {  	s15 =	spop (v2sf)  }
0x32: {  	s29 =	spop (v2sf)  }
0x33: {  	s22 =	simm.s32 $0x2;
	s19 =	spop (v2sf);
	s14 =	sadd.f32 $0.0e+00, s29  }
0x34: {  	s20 =	sor.u32 s18, s15;
	p0 =	seq.s32 s15, $0x1;
	s16 =	spop (v2sf)  }
0x35: {  	p1 =	seq.s32 s20, $0x0;
	s11 =	spop (v2sf);
	s17 =	smov.u32 s14  }
0x36: {  	s23 =	smov.u32 s14;
	s21 =	smov.u32 s14;
	s30 =	sor.u32 s19, s16  }
0x37: {  	p2 =	seq.s32 s16, $0x1;
	s13 =	spop (v2sf);
	s17 =	simm.s32 @!p0 $0x0  }
0x38: {  	p0 =	seq.s32 s18, $0x0;
	s23 =	simm.s32 @!p1 $0x0;
	p1 =	seq.s32 s15, $0x2  }
0x39: {  	s25 =	smov.u32 s11;
	s20 =	smov.u32 s11;
	s12 =	spop (v2sf)  }
0x3a: {  	s26 =	smov.u32 s11;
	s24 =	smov.u32 s17;
	s8 =	spop (v2sf)  }
0x3b: {  	s21 =	simm.s32 @!p1 $0x0;
	p1 =	seq.s32 s30, $0x0;
	s9 =	spop (v2sf)  }
0x3c: {  	s20 =	simm.s32 @!p2 $0x0;
	p2 =	seq.s32 s16, $0x2;
	s10 =	spop (v2sf)  }
0x3d: {  	s24 =	simm.s32 @!p0 $0x0;
	s25 =	simm.s32 @!p1 $0x0;
	s7 =	spop (v2sf)  }
0x3e: {  	p1 =	seq.s32 s19, $0x0;
	s26 =	simm.s32 @!p2 $0x0;
	_ =	swait.ge [sflag:s22], $0x40  }
0x3f: {  	s29 =	sor.u32 s13, s12;
	s23 =	sadd.f32 s25, s23;
	[sflag:s22] =	ssyncset.done $0x0  }
0x40: {  	s25 =	smov.u32 s20;
	s28 =	smov.u32 s26;
	[sflag:s22] =	ssyncadd.s32 $0xFFFFFFC0  }
0x41: {  	p2 =	seq.s32 s29, $0x0;
	s29 =	smov.u32 s8;
	_ =	swait.ge [sflag:s22], $0x40  }
0x42: {  	s25 =	simm.s32 @!p1 $0x0;
	s28 =	simm.s32 @!p1 $0x0;
	[sflag:s22] =	ssyncset.done $0x0  }
0x43: {  	s29 =	simm.s32 @!p2 $0x0;
	s24 =	sadd.f32 s25, s24;
	[sflag:s22] =	ssyncadd.s32 $0xFFFFFFC0  }
0x44: {  	s25 =	smov.u32 s21;
	s29 =	sadd.f32 s23, s29;
	_ =	swait.ge [sflag:s22], $0x40  }
0x45: {  	s31 =	sor.u32 s9, s10;
	s25 =	simm.s32 @!p0 $0x0;
	[sflag:s22] =	ssyncset.done $0x0  }
0x46: {  	p0 =	seq.s32 s12, $0x1;
	[sflag:s22] =	ssyncadd.s32 $0xFFFFFFC0;
	s22 =	smov.u32 s8  }
0x47: {  	p2 =	seq.s32 s10, $0x1;
	s23 =	smov.u32 s7;
	s22 =	simm.s32 @!p0 $0x0;
	v29 =	vld [tilespmem:$0x180]  }
0x48: {  	s28 =	sadd.f32 s28, s25;
	p0 =	seq.s32 s13, $0x0;
	v30 =	vld [tilespmem:$0x200];
	s25 =	smov.u32 s22  }
0x49: {  	p1 =	seq.s32 s31, $0x0;
	s23 =	simm.s32 @!p2 $0x0;
	v31 =	vld [tilespmem:$0x280];
	s25 =	simm.s32 @!p0 $0x0  }
0x4a: {  	p2 =	seq.s32 s12, $0x2;
	v3 =	vld [tilespmem:$0x190];
	s25 =	sadd.f32 s24, s25;
	s24 =	smov.u32 s7  }
0x4b: {  	s30 =	smov.u32 s23;
	v4 =	vld [tilespmem:$0x210];
	s24 =	simm.s32 @!p1 $0x0;
	p1 =	seq.s32 s9, $0x0  }
0x4c: {  	v5 =	vld [tilespmem:$0x290];
	s29 =	sadd.f32 s29, s24;
	s24 =	smov.u32 s8;
	s30 =	simm.s32 @!p1 $0x0  }
0x4d: {  	v6 =	vld [tilespmem:$0x1A0];
	s24 =	simm.s32 @!p2 $0x0;
	s30 =	sadd.f32 s25, s30  }
0x4e: {  	v7 =	vld [tilespmem:$0x1B0];
	p2 =	seq.s32 s10, $0x2;
	s25 =	smov.u32 s7;
	s31 =	smov.u32 s24  }
0x4f: {  	v8 =	vld [tilespmem:$0x220];
	s25 =	simm.s32 @!p2 $0x0;
	s31 =	simm.s32 @!p0 $0x0  }
0x50: {  	v9 =	vld [tilespmem:$0x230];
	s28 =	sadd.f32 s28, s31;
	s31 =	smov.u32 s25  }
0x51: {  	v10 =	vld [tilespmem:$0x2A0];
	v0 =	vmul.f32 s29, v29;
	v3 =	vmul.f32 s29, v3;
	s31 =	simm.s32 @!p1 $0x0  }
0x52: {  	v11 =	vld [tilespmem:$0x2B0];
	v6 =	vmul.f32 s29, v6;
	v1 =	vmul.f32 s30, v30;
	s28 =	sadd.f32 s28, s31  }
0x53: {  	v7 =	vmul.f32 s29, v7;
	v4 =	vmul.f32 s30, v4  }
0x54: {  	v33 =	vmul.f32 s30, v8;
	v0 =	vadd.f32 v1, v0;
	v32 =	vmul.f32 s28, v31  }
0x55: {  	v34 =	vmul.f32 s30, v9;
	v3 =	vadd.f32 v4, v3;
	v35 =	vmul.f32 s28, v5  }
0x56: {  	v36 =	vadd.f32 v33, v6;
	v37 =	vmul.f32 s28, v10;
	v0 =	vadd.f32 v32, v0  }
0x57: {  	s6 =	sshll.u32 s6, $0x8;
	v39 =	vadd.f32 v34, v7;
	v38 =	vmul.f32 s28, v11;
	v3 =	vadd.f32 v35, v3  }
0x58: {  	s5 =	sor.u32 s5, s6;
	v40 =	vadd.f32 v37, v36;
	[tilespmem:$0x380] =	vst v0  }
0x59: {  	s5 =	sshrl.u32 s5, $0x3;
	p3 =	seq.s32 s16, $0x0;
	v41 =	vadd.f32 v38, v39;
	[tilespmem:$0x390] =	vst v3  }
0x5a: {  	s4 =	sadd.s32 s4, s5;
	s11 =	simm.s32 @!p3 $0x0;
	p2 =	seq.s32 s15, $0x0;
	[tilespmem:$0x3A0] =	vst v40  }
0x5b: {  	p0 =	seq.s32 s18, $0x1;
	s30 =	simm.s32 $0x380;
	s14 =	simm.s32 @!p2 $0x0;
	[tilespmem:$0x3B0] =	vst v41  }
0x5c: {  	[hbm4b:s4+s2] =	stream.linear.scatter [tilespmem:s30], [sflag:$0x1], $0x40, $0x38;
	[tilespmem:$0x480] =	vst v63  }
0x5d: {  	p2 =	seq.s32 s10, $0x0;
	s21 =	simm.s32 @!p0 $0x0;
	p1 =	seq.s32 s19, $0x1;
	v42 =	vld [tilespmem:$0x180]  }
0x5e: {  	s17 =	simm.s32 @!p0 $0x0;
	s14 =	simm.s32 @!p0 $0x0;
	s20 =	simm.s32 @!p1 $0x0;
	v43 =	vld [tilespmem:$0x200]  }
0x5f: {  	p0 =	seq.s32 s13, $0x1;
	s11 =	simm.s32 @!p1 $0x0;
	s29 =	sadd.f32 s20, s17;
	v44 =	vld [tilespmem:$0x280]  }
0x60: {  	s26 =	simm.s32 @!p1 $0x0;
	p1 =	seq.s32 s12, $0x0;
	s11 =	sadd.f32 s11, s14;
	v45 =	vld [tilespmem:$0x190]  }
0x61: {  	s22 =	simm.s32 @!p0 $0x0;
	s8 =	simm.s32 @!p1 $0x0;
	s28 =	sadd.f32 s26, s21;
	v46 =	vld [tilespmem:$0x210]  }
0x62: {  	p1 =	seq.s32 s9, $0x1;
	s8 =	simm.s32 @!p0 $0x0;
	s5 =	sadd.f32 s29, s22;
	v47 =	vld [tilespmem:$0x290]  }
0x63: {  	s7 =	simm.s32 @!p2 $0x0;
	s23 =	simm.s32 @!p1 $0x0;
	s8 =	sadd.f32 s11, s8;
	v48 =	vld [tilespmem:$0x1A0]  }
0x64: {  	s7 =	simm.s32 @!p1 $0x0;
	s5 =	sadd.f32 s5, s23;
	v49 =	vld [tilespmem:$0x1B0]  }
0x65: {  	s24 =	simm.s32 @!p0 $0x0;
	s7 =	sadd.f32 s8, s7;
	v50 =	vld [tilespmem:$0x220]  }
0x66: {  	s6 =	sadd.f32 s28, s24;
	v51 =	vld [tilespmem:$0x230]  }
0x67: {  	s25 =	simm.s32 @!p1 $0x0;
	v52 =	vld [tilespmem:$0x2A0];
	v0 =	vmul.f32 s7, v42;
	v1 =	vmul.f32 s5, v43  }
0x68: {  	s6 =	sadd.f32 s6, s25;
	v53 =	vld [tilespmem:$0x2B0];
	v3 =	vmul.f32 s7, v45;
	v6 =	vmul.f32 s7, v48  }
0x69: {  	v7 =	vmul.f32 s7, v49;
	v4 =	vmul.f32 s5, v46  }
0x6a: {  	v54 =	vmul.f32 s6, v44;
	v55 =	vmul.f32 s5, v50;
	v0 =	vadd.f32 v1, v0  }
0x6b: {  	v56 =	vmul.f32 s5, v51;
	v57 =	vmul.f32 s6, v47;
	v3 =	vadd.f32 v4, v3  }
0x6c: {  	v59 =	vmul.f32 s6, v52;
	v58 =	vadd.f32 v55, v6;
	v0 =	vadd.f32 v54, v0  }
0x6d: {  	v61 =	vmul.f32 s6, v53;
	v60 =	vadd.f32 v56, v7;
	v3 =	vadd.f32 v57, v3  }
0x6e: {  	v62 =	vadd.f32 v59, v58;
	[tilespmem:$0x400] =	vst v0  }
0x6f: {  	v63 =	vadd.f32 v61, v60;
	[tilespmem:$0x410] =	vst v3  }
0x70: {  	[tilespmem:$0x420] =	vst v62  }
0x71: {  	s31 =	simm.s32 $0x400;
	s4 =	sadd.s32 $0x10, s4;
	[tilespmem:$0x430] =	vst v63  }
0x72: {  	[hbm4b:s4+s2] =	stream.linear.scatter [tilespmem:s31], [sflag:$0x1], $0x40, $0x38;
	[tilespmem:$0x480] =	vst v63  }
0x73: {  	_ =	swait.ge [sflag:s3], $0x40  }
0x74: {  	[sflag:s3] =	ssyncset.done $0x0  }
0x75: {  	[sflag:s3] =	ssyncadd.s32 $0xFFFFFFC0  }
0x76: {  	_ =	swait.ge [sflag:s3], $0x40  }
0x77: {  	[sflag:s3] =	ssyncset.done $0x0  }
0x78: {  	[sflag:s3] =	ssyncadd.s32 $0xFFFFFFC0  }
0x79: {  	_ =	sfence.sel $0x180000  }
0x7a: {  	[bflag:$0x0] =	sbarrier.arrive $0xFFFF  }
0x7b: {  	p0 =	sne.s32 s1, $0x0;
	_ =	strace $0x90000047  }
0x7c: {  	s0 =	sadd.s32 @!p0 $0x100000, s0;
	[bflag:$0x2] =	sbarrier.arrive $0xFFFF  }
0x7d: {  	[sflag:s0] =	ssyncadd.tile.s32 @!p0 $0x1;
	_ =	shalt  }
.Lfunc_end2:
_tile_overlayer_lowered:
.L_overlay_start_2:
0x7e: {  	(tag) =	ssettag $0x2  }
0x7f: {  	s0 =	rddreg [dreg:$0x0];
	s2 =	stileid.u32  }
0x80: {  	s1 =	rddreg [dreg:$0x1];
	p0 =	sne.s32 s2, $0x0  }
0x81: {  	s3 =	rddreg [dreg:$0x2];
	[bflag:$0x3] =	sbarrier.arrive $0xFFFF;
	s2 =	simm.s32 @!p0 $0x1C03  }
0x82: {  	[timem:s3], [sflag:s2] =	dma.local @!p0 [hbm:s0], s1  }
0x83: {  	s0 =	simm.s32 @!p0 $0x3  }
0x84: {  	_ =	swait.ge @!p0 [sflag:s0], s1  }
0x85: {  	s1 =	ssub.s32 @!p0 $0x0, s1;
	[sflag:s0] =	ssyncset.done @!p0 $0x0  }
0x86: {  	[sflag:s0] =	ssyncadd.s32 @!p0 s1  }
0x87: {  	[bflag:$0x3] =	sbarrier.arrive $0xFFFF  }
0x88: {  	_ =	shalt  }

</sc_bundles>
